<compile_context>
chip_gen: v7x
topology: tpu7x:2x2x1
jax: 0.10.2.dev20260603
libtpu: 0.0.44.dev20260713+nightly
codegen_flags: <defaults>
</compile_context>

<pallas_src>
import functools
import math

import jax
import jax.numpy as jnp
from jax import lax
from jax.experimental import pallas as pl
from jax.experimental.pallas import tpu as pltpu
from jax.experimental.pallas import tpu_sc as plsc

VOCAB = 1000000
EMB = 64
PADW = 128
SCALE = math.sqrt(EMB)

NC = 2
NS = 16
NW = NC * NS

SPLITS = (0, 128, 200, 328)
SIZES = (128, 72, 128, 72)
CB = 2


def _sc_embed(B, T):
    assert B % (NW * CB) == 0
    rows_per_w = B // NW
    n_chunks = rows_per_w // CB
    tok_per_w = rows_per_w * T
    mesh = plsc.VectorSubcoreMesh(core_axis_name="c", subcore_axis_name="s")

    @functools.partial(
        pl.kernel,
        mesh=mesh,
        out_type=jax.ShapeDtypeStruct((B, T, PADW), jnp.float32),
        scratch_types=[
            pltpu.VMEM((tok_per_w,), jnp.int32),
            pltpu.VMEM((2, CB, T, EMB), jnp.float32),
            pltpu.SemaphoreType.DMA,
            pltpu.SemaphoreType.DMA,
        ],
        compiler_params=pltpu.CompilerParams(use_tc_tiling_on_sc=False),
    )
    def k(tokens_hbm, table_hbm, out_hbm, idx_all, rows_c, gsem, osem):
        wid = lax.axis_index("s") * NC + lax.axis_index("c")
        base = wid * tok_per_w

        pltpu.sync_copy(tokens_hbm.at[pl.ds(base, tok_per_w)], idx_all)

        def start_gathers(g, p):
            for off, sz in zip(SPLITS, SIZES):
                pltpu.async_copy(
                    table_hbm.at[idx_all.at[pl.ds(g * (CB * T) + off, sz)]],
                    rows_c.at[p, off // T, pl.ds(off % T, sz)],
                    gsem,
                )

        start_gathers(0, 0)

        def chunk_body(g, carry):
            p = lax.rem(g, 2)

            @pl.when(g + 1 < n_chunks)
            def _():
                @pl.when(g >= 1)
                def _():
                    pltpu.make_async_copy(
                        rows_c.at[1 - p],
                        out_hbm.at[pl.ds(0, CB), pl.ds(0, T), pl.ds(0, EMB)],
                        osem,
                    ).wait()

                start_gathers(g + 1, 1 - p)

            pltpu.make_async_copy(
                table_hbm.at[pl.ds(0, CB * T)], rows_c.at[p], gsem
            ).wait()

            def scale_body(i, c2):
                for u in range(CB):
                    for j in range(EMB // 16):
                        sl = pl.ds(j * 16, 16)
                        rows_c[p, u, i, sl] = rows_c[p, u, i, sl] * SCALE
                return c2

            lax.fori_loop(0, T, scale_body, 0, unroll=4)

            pltpu.async_copy(
                rows_c.at[p],
                out_hbm.at[
                    pl.ds(wid * rows_per_w + g * CB, CB),
                    pl.ds(0, T),
                    pl.ds(0, EMB),
                ],
                osem,
            )
            return carry

        lax.fori_loop(0, n_chunks, chunk_body, 0)

        for _ in range(2):
            pltpu.make_async_copy(
                rows_c.at[0],
                out_hbm.at[pl.ds(0, CB), pl.ds(0, T), pl.ds(0, EMB)],
                osem,
            ).wait()

    return k


def kernel(tokens, table):
    b, t = tokens.shape
    flat = tokens.reshape(b * t).astype(jnp.int32)
    wide = _sc_embed(b, t)(flat, table)
    return wide[:, :, :EMB]

# --- scband reference (transcript-rebuilt; emitter-appended) ---
"""Pipeline reference for scband-token-embedding-28922309771456 (READ-ONLY COPY).

The authoritative reference and input builder live on the scoring server;
editing this copy changes nothing except your own understanding.
"""

import jax, jax.numpy as jnp
import numpy as np
import math

VOCAB = 1000000
EMB = 64

def setup_inputs(seed: int = 0) -> dict:
    key = jax.random.key(seed)
    k1, k2 = jax.random.split(key)
    tokens = jax.random.randint(k1, (4096, 200), 0, VOCAB, dtype=jnp.int64) if jax.config.jax_enable_x64 else jax.random.randint(k1, (4096, 200), 0, VOCAB, dtype=jnp.int32)
    table = jax.random.normal(k2, (VOCAB, EMB), dtype=jnp.float32)
    return {"tokens": tokens, "table": table}

def reference(tokens, table):
    sqrt_emb_size = math.sqrt(EMB)
    emb = jnp.take(table, tokens, axis=0)
    return emb * sqrt_emb_size

if __name__ == "__main__":
    import jax
    _d = setup_inputs()
    print(jax.jit(kernel)(*tuple(_d.values())))

</pallas_src>

<mosaic_0001>
#map = affine_map<(d0, d1) -> (0)>
#map1 = affine_map<(d0, d1) -> (0, 0)>
#map2 = affine_map<(d0, d1) -> (0, 0, 0)>
module attributes {stable_mosaic.version = 14 : i64} {
  func.func @k(%arg0: i32, %arg1: i32, %arg2: memref<819200xi32, #tpu.memory_space<hbm>>, %arg3: memref<1000000x64xf32, #tpu.memory_space<hbm>>, %arg4: memref<4096x200x128xf32, #tpu.memory_space<hbm>>, %arg5: memref<25600xi32, #tpu.memory_space<vmem>>, %arg6: memref<2x2x200x64xf32, #tpu.memory_space<vmem>>, %arg7: memref<!tpu.dma_semaphore, #tpu.memory_space<semaphore_mem>>, %arg8: memref<!tpu.dma_semaphore, #tpu.memory_space<semaphore_mem>>) attributes {dimension_semantics = [#tpu.dimension_semantics<core_parallel>, #tpu.dimension_semantics<subcore_parallel>], iteration_bounds = array<i64: 2, 16>, scalar_prefetch = 0 : i64, scratch_operands = 4 : i64, tpu.core_type = #tpu.core_type<sc_vector_subcore>, window_params = [{transform_indices = #map}, {transform_indices = #map1}, {transform_indices = #map2}]} {
    %mul3A = arith.constant 2 : i32
    %mul3A_0 = arith.muli %arg1, %mul3A : i32
    %add3A = arith.addi %mul3A_0, %arg0 : i32
    %mul3A_1 = arith.constant 25600 : i32
    %mul3A_2 = arith.muli %add3A, %mul3A_1 : i32
    "tpu.region"() ({
      %run_scoped3A = tpu.sem_alloc : memref<!tpu.dma_semaphore, #tpu.memory_space<semaphore_mem>>
      %dma_start3A_88 = tpu.memref_slice %arg2[%mul3A_2] : memref<819200xi32, #tpu.memory_space<hbm>> -> memref<25600xi32, #tpu.memory_space<hbm>>
      %dma_start3A_89 = tpu.memref_slice %arg2[%mul3A_2] : memref<819200xi32, #tpu.memory_space<hbm>> -> memref<25600xi32, #tpu.memory_space<hbm>>
      tpu.enqueue_dma source(%dma_start3A_89 : memref<25600xi32, #tpu.memory_space<hbm>>) target(%arg5 : memref<25600xi32, #tpu.memory_space<vmem>>) target_semaphore(%run_scoped3A : memref<!tpu.dma_semaphore, #tpu.memory_space<semaphore_mem>>)
      %dma_wait3A_90 = tpu.memref_slice %arg2[%mul3A_2] : memref<819200xi32, #tpu.memory_space<hbm>> -> memref<25600xi32, #tpu.memory_space<hbm>>
      %dma_wait3A_91 = tpu.memref_slice %arg2[%mul3A_2] : memref<819200xi32, #tpu.memory_space<hbm>> -> memref<25600xi32, #tpu.memory_space<hbm>>
      tpu.wait_dma2 semaphore(%run_scoped3A : memref<!tpu.dma_semaphore, #tpu.memory_space<semaphore_mem>>) src(%dma_wait3A_91 : memref<25600xi32, #tpu.memory_space<hbm>>) dst(%arg5 : memref<25600xi32, #tpu.memory_space<vmem>>)
      tpu.yield
    }) : () -> ()
    %dma_start3A = arith.constant 0 : i32
    %dma_start3A_3 = arith.constant 0 : i32
    %dma_start3A_4 = arith.constant 0 : i32
    %dma_start3A_5 = arith.constant 0 : i32
    %dma_start3A_6 = tpu.memref_slice %arg6[%dma_start3A, %dma_start3A_3, %dma_start3A_4, %dma_start3A_5] : memref<2x2x200x64xf32, #tpu.memory_space<vmem>> -> memref<1x1x128x64xf32, #tpu.memory_space<vmem>>
    %dma_start3A_7 = tpu.memref_squeeze %dma_start3A_6 : memref<1x1x128x64xf32, #tpu.memory_space<vmem>> -> memref<128x64xf32, #tpu.memory_space<vmem>>
    %dma_start3A_8 = arith.constant 0 : i32
    %dma_start3A_9 = tpu.memref_slice %arg5[%dma_start3A_8] : memref<25600xi32, #tpu.memory_space<vmem>> -> memref<128xi32, #tpu.memory_space<vmem>>
    %dma_start3A_10 = arith.constant 0 : i32
    %dma_start3A_11 = arith.constant 0 : i32
    %dma_start3A_12 = tpu.memref_slice %arg3[%dma_start3A_10, %dma_start3A_11] : memref<1000000x64xf32, #tpu.memory_space<hbm>> -> memref<1000000x64xf32, #tpu.memory_space<hbm>>
    tpu.enqueue_indirect_dma source(%dma_start3A_12 : memref<1000000x64xf32, #tpu.memory_space<hbm>>) target(%dma_start3A_7 : memref<128x64xf32, #tpu.memory_space<vmem>>) offsets(%dma_start3A_9 : memref<128xi32, #tpu.memory_space<vmem>>) semaphore(%arg7 : memref<!tpu.dma_semaphore, #tpu.memory_space<semaphore_mem>>)
    %dma_start3A_13 = arith.constant 0 : i32
    %dma_start3A_14 = arith.constant 0 : i32
    %dma_start3A_15 = arith.constant 128 : i32
    %dma_start3A_16 = arith.constant 0 : i32
    %dma_start3A_17 = tpu.memref_slice %arg6[%dma_start3A_13, %dma_start3A_14, %dma_start3A_15, %dma_start3A_16] : memref<2x2x200x64xf32, #tpu.memory_space<vmem>> -> memref<1x1x72x64xf32, #tpu.memory_space<vmem>>
    %dma_start3A_18 = tpu.memref_squeeze %dma_start3A_17 : memref<1x1x72x64xf32, #tpu.memory_space<vmem>> -> memref<72x64xf32, #tpu.memory_space<vmem>>
    %dma_start3A_19 = arith.constant 128 : i32
    %dma_start3A_20 = tpu.memref_slice %arg5[%dma_start3A_19] : memref<25600xi32, #tpu.memory_space<vmem>> -> memref<72xi32, #tpu.memory_space<vmem>>
    %dma_start3A_21 = arith.constant 0 : i32
    %dma_start3A_22 = arith.constant 0 : i32
    %dma_start3A_23 = tpu.memref_slice %arg3[%dma_start3A_21, %dma_start3A_22] : memref<1000000x64xf32, #tpu.memory_space<hbm>> -> memref<1000000x64xf32, #tpu.memory_space<hbm>>
    tpu.enqueue_indirect_dma source(%dma_start3A_23 : memref<1000000x64xf32, #tpu.memory_space<hbm>>) target(%dma_start3A_18 : memref<72x64xf32, #tpu.memory_space<vmem>>) offsets(%dma_start3A_20 : memref<72xi32, #tpu.memory_space<vmem>>) semaphore(%arg7 : memref<!tpu.dma_semaphore, #tpu.memory_space<semaphore_mem>>)
    %dma_start3A_24 = arith.constant 0 : i32
    %dma_start3A_25 = arith.constant 1 : i32
    %dma_start3A_26 = arith.constant 0 : i32
    %dma_start3A_27 = arith.constant 0 : i32
    %dma_start3A_28 = tpu.memref_slice %arg6[%dma_start3A_24, %dma_start3A_25, %dma_start3A_26, %dma_start3A_27] : memref<2x2x200x64xf32, #tpu.memory_space<vmem>> -> memref<1x1x128x64xf32, #tpu.memory_space<vmem>>
    %dma_start3A_29 = tpu.memref_squeeze %dma_start3A_28 : memref<1x1x128x64xf32, #tpu.memory_space<vmem>> -> memref<128x64xf32, #tpu.memory_space<vmem>>
    %dma_start3A_30 = arith.constant 200 : i32
    %dma_start3A_31 = tpu.memref_slice %arg5[%dma_start3A_30] : memref<25600xi32, #tpu.memory_space<vmem>> -> memref<128xi32, #tpu.memory_space<vmem>>
    %dma_start3A_32 = arith.constant 0 : i32
    %dma_start3A_33 = arith.constant 0 : i32
    %dma_start3A_34 = tpu.memref_slice %arg3[%dma_start3A_32, %dma_start3A_33] : memref<1000000x64xf32, #tpu.memory_space<hbm>> -> memref<1000000x64xf32, #tpu.memory_space<hbm>>
    tpu.enqueue_indirect_dma source(%dma_start3A_34 : memref<1000000x64xf32, #tpu.memory_space<hbm>>) target(%dma_start3A_29 : memref<128x64xf32, #tpu.memory_space<vmem>>) offsets(%dma_start3A_31 : memref<128xi32, #tpu.memory_space<vmem>>) semaphore(%arg7 : memref<!tpu.dma_semaphore, #tpu.memory_space<semaphore_mem>>)
    %dma_start3A_35 = arith.constant 0 : i32
    %dma_start3A_36 = arith.constant 1 : i32
    %dma_start3A_37 = arith.constant 128 : i32
    %dma_start3A_38 = arith.constant 0 : i32
    %dma_start3A_39 = tpu.memref_slice %arg6[%dma_start3A_35, %dma_start3A_36, %dma_start3A_37, %dma_start3A_38] : memref<2x2x200x64xf32, #tpu.memory_space<vmem>> -> memref<1x1x72x64xf32, #tpu.memory_space<vmem>>
    %dma_start3A_40 = tpu.memref_squeeze %dma_start3A_39 : memref<1x1x72x64xf32, #tpu.memory_space<vmem>> -> memref<72x64xf32, #tpu.memory_space<vmem>>
    %dma_start3A_41 = arith.constant 328 : i32
    %dma_start3A_42 = tpu.memref_slice %arg5[%dma_start3A_41] : memref<25600xi32, #tpu.memory_space<vmem>> -> memref<72xi32, #tpu.memory_space<vmem>>
    %dma_start3A_43 = arith.constant 0 : i32
    %dma_start3A_44 = arith.constant 0 : i32
    %dma_start3A_45 = tpu.memref_slice %arg3[%dma_start3A_43, %dma_start3A_44] : memref<1000000x64xf32, #tpu.memory_space<hbm>> -> memref<1000000x64xf32, #tpu.memory_space<hbm>>
    tpu.enqueue_indirect_dma source(%dma_start3A_45 : memref<1000000x64xf32, #tpu.memory_space<hbm>>) target(%dma_start3A_40 : memref<72x64xf32, #tpu.memory_space<vmem>>) offsets(%dma_start3A_42 : memref<72xi32, #tpu.memory_space<vmem>>) semaphore(%arg7 : memref<!tpu.dma_semaphore, #tpu.memory_space<semaphore_mem>>)
    %scan3A = arith.constant 0 : i32
    %scan3A_46 = arith.constant 0 : i32
    %scan3A_47 = arith.constant 64 : i32
    %scan3A_48 = arith.addi %scan3A_46, %scan3A_47 : i32
    %scan3A_49 = arith.constant 1 : i32
    scf.for %scan3A_88 = %scan3A_46 to %scan3A_48 step %scan3A_49  : i32 {
      %rem3A = arith.constant 2 : i32
      %rem3A_89 = arith.remsi %scan3A_88, %rem3A : i32
      %add3A_90 = arith.constant 1 : i32
      %add3A_91 = arith.addi %scan3A_88, %add3A_90 : i32
      %lt3A = arith.constant 64 : i32
      %lt3A_92 = arith.cmpi slt, %add3A_91, %lt3A : i32
      %convert_element_type3A = arith.extui %lt3A_92 : i1 to i32
      %cond3A = arith.constant 0 : i32
      %cond3A_93 = arith.cmpi ne, %convert_element_type3A, %cond3A : i32
      scf.if %cond3A_93 {
        %ge3A = arith.constant 1 : i32
        %ge3A_137 = arith.cmpi sge, %scan3A_88, %ge3A : i32
        %convert_element_type3A_138 = arith.extui %ge3A_137 : i1 to i32
        %cond3A_139 = arith.constant 0 : i32
        %cond3A_140 = arith.cmpi ne, %convert_element_type3A_138, %cond3A_139 : i32
        scf.if %cond3A_140 {
          %sub3A_196 = arith.constant 1 : i32
          %sub3A_197 = arith.subi %sub3A_196, %rem3A_89 : i32
          %dma_wait3A_198 = arith.constant 0 : i32
          %dma_wait3A_199 = arith.constant 0 : i32
          %dma_wait3A_200 = arith.constant 0 : i32
          %dma_wait3A_201 = tpu.memref_slice %arg6[%sub3A_197, %dma_wait3A_198, %dma_wait3A_199, %dma_wait3A_200] : memref<2x2x200x64xf32, #tpu.memory_space<vmem>> -> memref<1x2x200x64xf32, #tpu.memory_space<vmem>>
          %dma_wait3A_202 = tpu.memref_squeeze %dma_wait3A_201 : memref<1x2x200x64xf32, #tpu.memory_space<vmem>> -> memref<2x200x64xf32, #tpu.memory_space<vmem>>
          %dma_wait3A_203 = arith.constant 0 : i32
          %dma_wait3A_204 = arith.constant 0 : i32
          %dma_wait3A_205 = arith.constant 0 : i32
          %dma_wait3A_206 = tpu.memref_slice %arg4[%dma_wait3A_203, %dma_wait3A_204, %dma_wait3A_205] : memref<4096x200x128xf32, #tpu.memory_space<hbm>> -> memref<2x200x64xf32, #tpu.memory_space<hbm>>
          %dma_wait3A_207 = arith.constant 0 : i32
          %dma_wait3A_208 = arith.constant 0 : i32
          %dma_wait3A_209 = arith.constant 0 : i32
          %dma_wait3A_210 = tpu.memref_slice %arg4[%dma_wait3A_207, %dma_wait3A_208, %dma_wait3A_209] : memref<4096x200x128xf32, #tpu.memory_space<hbm>> -> memref<2x200x64xf32, #tpu.memory_space<hbm>>
          %dma_wait3A_211 = arith.constant 0 : i32
          %dma_wait3A_212 = arith.constant 0 : i32
          %dma_wait3A_213 = arith.constant 0 : i32
          %dma_wait3A_214 = tpu.memref_slice %arg6[%sub3A_197, %dma_wait3A_211, %dma_wait3A_212, %dma_wait3A_213] : memref<2x2x200x64xf32, #tpu.memory_space<vmem>> -> memref<1x2x200x64xf32, #tpu.memory_space<vmem>>
          %dma_wait3A_215 = tpu.memref_squeeze %dma_wait3A_214 : memref<1x2x200x64xf32, #tpu.memory_space<vmem>> -> memref<2x200x64xf32, #tpu.memory_space<vmem>>
          tpu.wait_dma2 semaphore(%arg8 : memref<!tpu.dma_semaphore, #tpu.memory_space<semaphore_mem>>) src(%dma_wait3A_215 : memref<2x200x64xf32, #tpu.memory_space<vmem>>) dst(%dma_wait3A_210 : memref<2x200x64xf32, #tpu.memory_space<hbm>>)
        } else {
        }
        %add3A_141 = arith.constant 1 : i32
        %add3A_142 = arith.addi %scan3A_88, %add3A_141 : i32
        %sub3A = arith.constant 1 : i32
        %sub3A_143 = arith.subi %sub3A, %rem3A_89 : i32
        %mul3A_144 = arith.constant 400 : i32
        %mul3A_145 = arith.muli %add3A_142, %mul3A_144 : i32
        %add3A_146 = arith.constant 0 : i32
        %add3A_147 = arith.addi %mul3A_145, %add3A_146 : i32
        %dma_start3A_148 = arith.constant 0 : i32
        %dma_start3A_149 = arith.constant 0 : i32
        %dma_start3A_150 = arith.constant 0 : i32
        %dma_start3A_151 = tpu.memref_slice %arg6[%sub3A_143, %dma_start3A_148, %dma_start3A_149, %dma_start3A_150] : memref<2x2x200x64xf32, #tpu.memory_space<vmem>> -> memref<1x1x128x64xf32, #tpu.memory_space<vmem>>
        %dma_start3A_152 = tpu.memref_squeeze %dma_start3A_151 : memref<1x1x128x64xf32, #tpu.memory_space<vmem>> -> memref<128x64xf32, #tpu.memory_space<vmem>>
        %dma_start3A_153 = tpu.memref_slice %arg5[%add3A_147] : memref<25600xi32, #tpu.memory_space<vmem>> -> memref<128xi32, #tpu.memory_space<vmem>>
        %dma_start3A_154 = arith.constant 0 : i32
        %dma_start3A_155 = arith.constant 0 : i32
        %dma_start3A_156 = tpu.memref_slice %arg3[%dma_start3A_154, %dma_start3A_155] : memref<1000000x64xf32, #tpu.memory_space<hbm>> -> memref<1000000x64xf32, #tpu.memory_space<hbm>>
        tpu.enqueue_indirect_dma source(%dma_start3A_156 : memref<1000000x64xf32, #tpu.memory_space<hbm>>) target(%dma_start3A_152 : memref<128x64xf32, #tpu.memory_space<vmem>>) offsets(%dma_start3A_153 : memref<128xi32, #tpu.memory_space<vmem>>) semaphore(%arg7 : memref<!tpu.dma_semaphore, #tpu.memory_space<semaphore_mem>>)
        %mul3A_157 = arith.constant 400 : i32
        %mul3A_158 = arith.muli %add3A_142, %mul3A_157 : i32
        %add3A_159 = arith.constant 128 : i32
        %add3A_160 = arith.addi %mul3A_158, %add3A_159 : i32
        %dma_start3A_161 = arith.constant 0 : i32
        %dma_start3A_162 = arith.constant 128 : i32
        %dma_start3A_163 = arith.constant 0 : i32
        %dma_start3A_164 = tpu.memref_slice %arg6[%sub3A_143, %dma_start3A_161, %dma_start3A_162, %dma_start3A_163] : memref<2x2x200x64xf32, #tpu.memory_space<vmem>> -> memref<1x1x72x64xf32, #tpu.memory_space<vmem>>
        %dma_start3A_165 = tpu.memref_squeeze %dma_start3A_164 : memref<1x1x72x64xf32, #tpu.memory_space<vmem>> -> memref<72x64xf32, #tpu.memory_space<vmem>>
        %dma_start3A_166 = tpu.memref_slice %arg5[%add3A_160] : memref<25600xi32, #tpu.memory_space<vmem>> -> memref<72xi32, #tpu.memory_space<vmem>>
        %dma_start3A_167 = arith.constant 0 : i32
        %dma_start3A_168 = arith.constant 0 : i32
        %dma_start3A_169 = tpu.memref_slice %arg3[%dma_start3A_167, %dma_start3A_168] : memref<1000000x64xf32, #tpu.memory_space<hbm>> -> memref<1000000x64xf32, #tpu.memory_space<hbm>>
        tpu.enqueue_indirect_dma source(%dma_start3A_169 : memref<1000000x64xf32, #tpu.memory_space<hbm>>) target(%dma_start3A_165 : memref<72x64xf32, #tpu.memory_space<vmem>>) offsets(%dma_start3A_166 : memref<72xi32, #tpu.memory_space<vmem>>) semaphore(%arg7 : memref<!tpu.dma_semaphore, #tpu.memory_space<semaphore_mem>>)
        %mul3A_170 = arith.constant 400 : i32
        %mul3A_171 = arith.muli %add3A_142, %mul3A_170 : i32
        %add3A_172 = arith.constant 200 : i32
        %add3A_173 = arith.addi %mul3A_171, %add3A_172 : i32
        %dma_start3A_174 = arith.constant 1 : i32
        %dma_start3A_175 = arith.constant 0 : i32
        %dma_start3A_176 = arith.constant 0 : i32
        %dma_start3A_177 = tpu.memref_slice %arg6[%sub3A_143, %dma_start3A_174, %dma_start3A_175, %dma_start3A_176] : memref<2x2x200x64xf32, #tpu.memory_space<vmem>> -> memref<1x1x128x64xf32, #tpu.memory_space<vmem>>
        %dma_start3A_178 = tpu.memref_squeeze %dma_start3A_177 : memref<1x1x128x64xf32, #tpu.memory_space<vmem>> -> memref<128x64xf32, #tpu.memory_space<vmem>>
        %dma_start3A_179 = tpu.memref_slice %arg5[%add3A_173] : memref<25600xi32, #tpu.memory_space<vmem>> -> memref<128xi32, #tpu.memory_space<vmem>>
        %dma_start3A_180 = arith.constant 0 : i32
        %dma_start3A_181 = arith.constant 0 : i32
        %dma_start3A_182 = tpu.memref_slice %arg3[%dma_start3A_180, %dma_start3A_181] : memref<1000000x64xf32, #tpu.memory_space<hbm>> -> memref<1000000x64xf32, #tpu.memory_space<hbm>>
        tpu.enqueue_indirect_dma source(%dma_start3A_182 : memref<1000000x64xf32, #tpu.memory_space<hbm>>) target(%dma_start3A_178 : memref<128x64xf32, #tpu.memory_space<vmem>>) offsets(%dma_start3A_179 : memref<128xi32, #tpu.memory_space<vmem>>) semaphore(%arg7 : memref<!tpu.dma_semaphore, #tpu.memory_space<semaphore_mem>>)
        %mul3A_183 = arith.constant 400 : i32
        %mul3A_184 = arith.muli %add3A_142, %mul3A_183 : i32
        %add3A_185 = arith.constant 328 : i32
        %add3A_186 = arith.addi %mul3A_184, %add3A_185 : i32
        %dma_start3A_187 = arith.constant 1 : i32
        %dma_start3A_188 = arith.constant 128 : i32
        %dma_start3A_189 = arith.constant 0 : i32
        %dma_start3A_190 = tpu.memref_slice %arg6[%sub3A_143, %dma_start3A_187, %dma_start3A_188, %dma_start3A_189] : memref<2x2x200x64xf32, #tpu.memory_space<vmem>> -> memref<1x1x72x64xf32, #tpu.memory_space<vmem>>
        %dma_start3A_191 = tpu.memref_squeeze %dma_start3A_190 : memref<1x1x72x64xf32, #tpu.memory_space<vmem>> -> memref<72x64xf32, #tpu.memory_space<vmem>>
        %dma_start3A_192 = tpu.memref_slice %arg5[%add3A_186] : memref<25600xi32, #tpu.memory_space<vmem>> -> memref<72xi32, #tpu.memory_space<vmem>>
        %dma_start3A_193 = arith.constant 0 : i32
        %dma_start3A_194 = arith.constant 0 : i32
        %dma_start3A_195 = tpu.memref_slice %arg3[%dma_start3A_193, %dma_start3A_194] : memref<1000000x64xf32, #tpu.memory_space<hbm>> -> memref<1000000x64xf32, #tpu.memory_space<hbm>>
        tpu.enqueue_indirect_dma source(%dma_start3A_195 : memref<1000000x64xf32, #tpu.memory_space<hbm>>) target(%dma_start3A_191 : memref<72x64xf32, #tpu.memory_space<vmem>>) offsets(%dma_start3A_192 : memref<72xi32, #tpu.memory_space<vmem>>) semaphore(%arg7 : memref<!tpu.dma_semaphore, #tpu.memory_space<semaphore_mem>>)
      } else {
      }
      %dma_wait3A_94 = arith.constant 0 : i32
      %dma_wait3A_95 = arith.constant 0 : i32
      %dma_wait3A_96 = arith.constant 0 : i32
      %dma_wait3A_97 = tpu.memref_slice %arg6[%rem3A_89, %dma_wait3A_94, %dma_wait3A_95, %dma_wait3A_96] : memref<2x2x200x64xf32, #tpu.memory_space<vmem>> -> memref<1x2x200x64xf32, #tpu.memory_space<vmem>>
      %dma_wait3A_98 = tpu.memref_squeeze %dma_wait3A_97 : memref<1x2x200x64xf32, #tpu.memory_space<vmem>> -> memref<2x200x64xf32, #tpu.memory_space<vmem>>
      %dma_wait3A_99 = arith.constant 0 : i32
      %dma_wait3A_100 = arith.constant 0 : i32
      %dma_wait3A_101 = tpu.memref_slice %arg3[%dma_wait3A_99, %dma_wait3A_100] : memref<1000000x64xf32, #tpu.memory_space<hbm>> -> memref<400x64xf32, #tpu.memory_space<hbm>>
      %dma_wait3A_102 = arith.constant 0 : i32
      %dma_wait3A_103 = arith.constant 0 : i32
      %dma_wait3A_104 = arith.constant 0 : i32
      %dma_wait3A_105 = tpu.memref_slice %arg6[%rem3A_89, %dma_wait3A_102, %dma_wait3A_103, %dma_wait3A_104] : memref<2x2x200x64xf32, #tpu.memory_space<vmem>> -> memref<1x2x200x64xf32, #tpu.memory_space<vmem>>
      %dma_wait3A_106 = tpu.memref_squeeze %dma_wait3A_105 : memref<1x2x200x64xf32, #tpu.memory_space<vmem>> -> memref<2x200x64xf32, #tpu.memory_space<vmem>>
      %dma_wait3A_107 = arith.constant 0 : i32
      %dma_wait3A_108 = arith.constant 0 : i32
      %dma_wait3A_109 = tpu.memref_slice %arg3[%dma_wait3A_107, %dma_wait3A_108] : memref<1000000x64xf32, #tpu.memory_space<hbm>> -> memref<400x64xf32, #tpu.memory_space<hbm>>
      tpu.wait_dma2 semaphore(%arg7 : memref<!tpu.dma_semaphore, #tpu.memory_space<semaphore_mem>>) src(%dma_wait3A_109 : memref<400x64xf32, #tpu.memory_space<hbm>>) dst(%dma_wait3A_106 : memref<2x200x64xf32, #tpu.memory_space<vmem>>)
      %scan3A_110 = arith.constant 0 : i32
      %scan3A_111 = arith.constant 0 : i32
      %scan3A_112 = arith.constant 200 : i32
      %scan3A_113 = arith.addi %scan3A_111, %scan3A_112 : i32
      %scan3A_114 = arith.constant 4 : i32
      scf.for %scan3A_137 = %scan3A_111 to %scan3A_113 step %scan3A_114  : i32 {
        %get3A = arith.constant 0 : i32
        %get3A_138 = arith.index_cast %rem3A_89 : i32 to index
        %get3A_139 = arith.index_cast %get3A : i32 to index
        %get3A_140 = arith.index_cast %scan3A_137 : i32 to index
        %get3A_141 = arith.constant 0 : index
        %get3A_142 = tpu.vector_load %arg6[%get3A_138, %get3A_139, %get3A_140, %get3A_141] {strides = array<i32>} : memref<2x2x200x64xf32, #tpu.memory_space<vmem>>, vector<1x1x1x16xf32>,
        %get3A_143 = vector.shape_cast %get3A_142 : vector<1x1x1x16xf32> to vector<16xf32>
        %mul3A_144 = arith.constant 8.000000e+00 : f32
        %mul3A_145 = vector.broadcast %mul3A_144 : f32 to vector<16xf32>
        %mul3A_146 = arith.mulf %get3A_143, %mul3A_145 : vector<16xf32>
        %swap3A = arith.constant 0 : i32
        %swap3A_147 = arith.index_cast %rem3A_89 : i32 to index
        %swap3A_148 = arith.index_cast %swap3A : i32 to index
        %swap3A_149 = arith.index_cast %scan3A_137 : i32 to index
        %swap3A_150 = arith.constant 0 : index
        %swap3A_151 = tpu.vector_load %arg6[%swap3A_147, %swap3A_148, %swap3A_149, %swap3A_150] {strides = array<i32>} : memref<2x2x200x64xf32, #tpu.memory_space<vmem>>, vector<1x1x1x16xf32>,
        %swap3A_152 = vector.shape_cast %swap3A_151 : vector<1x1x1x16xf32> to vector<16xf32>
        %swap3A_153 = vector.shape_cast %mul3A_146 : vector<16xf32> to vector<1x1x1x16xf32>
        tpu.vector_store %arg6[%swap3A_147, %swap3A_148, %swap3A_149, %swap3A_150], %swap3A_153 {strides = array<i32>} : memref<2x2x200x64xf32, #tpu.memory_space<vmem>>, vector<1x1x1x16xf32>,
        %get3A_154 = arith.constant 0 : i32
        %get3A_155 = arith.index_cast %rem3A_89 : i32 to index
        %get3A_156 = arith.index_cast %get3A_154 : i32 to index
        %get3A_157 = arith.index_cast %scan3A_137 : i32 to index
        %get3A_158 = arith.constant 16 : index
        %get3A_159 = tpu.vector_load %arg6[%get3A_155, %get3A_156, %get3A_157, %get3A_158] {strides = array<i32>} : memref<2x2x200x64xf32, #tpu.memory_space<vmem>>, vector<1x1x1x16xf32>,
        %get3A_160 = vector.shape_cast %get3A_159 : vector<1x1x1x16xf32> to vector<16xf32>
        %mul3A_161 = arith.constant 8.000000e+00 : f32
        %mul3A_162 = vector.broadcast %mul3A_161 : f32 to vector<16xf32>
        %mul3A_163 = arith.mulf %get3A_160, %mul3A_162 : vector<16xf32>
        %swap3A_164 = arith.constant 0 : i32
        %swap3A_165 = arith.index_cast %rem3A_89 : i32 to index
        %swap3A_166 = arith.index_cast %swap3A_164 : i32 to index
        %swap3A_167 = arith.index_cast %scan3A_137 : i32 to index
        %swap3A_168 = arith.constant 16 : index
        %swap3A_169 = tpu.vector_load %arg6[%swap3A_165, %swap3A_166, %swap3A_167, %swap3A_168] {strides = array<i32>} : memref<2x2x200x64xf32, #tpu.memory_space<vmem>>, vector<1x1x1x16xf32>,
        %swap3A_170 = vector.shape_cast %swap3A_169 : vector<1x1x1x16xf32> to vector<16xf32>
        %swap3A_171 = vector.shape_cast %mul3A_163 : vector<16xf32> to vector<1x1x1x16xf32>
        tpu.vector_store %arg6[%swap3A_165, %swap3A_166, %swap3A_167, %swap3A_168], %swap3A_171 {strides = array<i32>} : memref<2x2x200x64xf32, #tpu.memory_space<vmem>>, vector<1x1x1x16xf32>,
        %get3A_172 = arith.constant 0 : i32
        %get3A_173 = arith.index_cast %rem3A_89 : i32 to index
        %get3A_174 = arith.index_cast %get3A_172 : i32 to index
        %get3A_175 = arith.index_cast %scan3A_137 : i32 to index
        %get3A_176 = arith.constant 32 : index
        %get3A_177 = tpu.vector_load %arg6[%get3A_173, %get3A_174, %get3A_175, %get3A_176] {strides = array<i32>} : memref<2x2x200x64xf32, #tpu.memory_space<vmem>>, vector<1x1x1x16xf32>,
        %get3A_178 = vector.shape_cast %get3A_177 : vector<1x1x1x16xf32> to vector<16xf32>
        %mul3A_179 = arith.constant 8.000000e+00 : f32
        %mul3A_180 = vector.broadcast %mul3A_179 : f32 to vector<16xf32>
        %mul3A_181 = arith.mulf %get3A_178, %mul3A_180 : vector<16xf32>
        %swap3A_182 = arith.constant 0 : i32
        %swap3A_183 = arith.index_cast %rem3A_89 : i32 to index
        %swap3A_184 = arith.index_cast %swap3A_182 : i32 to index
        %swap3A_185 = arith.index_cast %scan3A_137 : i32 to index
        %swap3A_186 = arith.constant 32 : index
        %swap3A_187 = tpu.vector_load %arg6[%swap3A_183, %swap3A_184, %swap3A_185, %swap3A_186] {strides = array<i32>} : memref<2x2x200x64xf32, #tpu.memory_space<vmem>>, vector<1x1x1x16xf32>,
        %swap3A_188 = vector.shape_cast %swap3A_187 : vector<1x1x1x16xf32> to vector<16xf32>
        %swap3A_189 = vector.shape_cast %mul3A_181 : vector<16xf32> to vector<1x1x1x16xf32>
        tpu.vector_store %arg6[%swap3A_183, %swap3A_184, %swap3A_185, %swap3A_186], %swap3A_189 {strides = array<i32>} : memref<2x2x200x64xf32, #tpu.memory_space<vmem>>, vector<1x1x1x16xf32>,
        %get3A_190 = arith.constant 0 : i32
        %get3A_191 = arith.index_cast %rem3A_89 : i32 to index
        %get3A_192 = arith.index_cast %get3A_190 : i32 to index
        %get3A_193 = arith.index_cast %scan3A_137 : i32 to index
        %get3A_194 = arith.constant 48 : index
        %get3A_195 = tpu.vector_load %arg6[%get3A_191, %get3A_192, %get3A_193, %get3A_194] {strides = array<i32>} : memref<2x2x200x64xf32, #tpu.memory_space<vmem>>, vector<1x1x1x16xf32>,
        %get3A_196 = vector.shape_cast %get3A_195 : vector<1x1x1x16xf32> to vector<16xf32>
        %mul3A_197 = arith.constant 8.000000e+00 : f32
        %mul3A_198 = vector.broadcast %mul3A_197 : f32 to vector<16xf32>
        %mul3A_199 = arith.mulf %get3A_196, %mul3A_198 : vector<16xf32>
        %swap3A_200 = arith.constant 0 : i32
        %swap3A_201 = arith.index_cast %rem3A_89 : i32 to index
        %swap3A_202 = arith.index_cast %swap3A_200 : i32 to index
        %swap3A_203 = arith.index_cast %scan3A_137 : i32 to index
        %swap3A_204 = arith.constant 48 : index
        %swap3A_205 = tpu.vector_load %arg6[%swap3A_201, %swap3A_202, %swap3A_203, %swap3A_204] {strides = array<i32>} : memref<2x2x200x64xf32, #tpu.memory_space<vmem>>, vector<1x1x1x16xf32>,
        %swap3A_206 = vector.shape_cast %swap3A_205 : vector<1x1x1x16xf32> to vector<16xf32>
        %swap3A_207 = vector.shape_cast %mul3A_199 : vector<16xf32> to vector<1x1x1x16xf32>
        tpu.vector_store %arg6[%swap3A_201, %swap3A_202, %swap3A_203, %swap3A_204], %swap3A_207 {strides = array<i32>} : memref<2x2x200x64xf32, #tpu.memory_space<vmem>>, vector<1x1x1x16xf32>,
        %get3A_208 = arith.constant 1 : i32
        %get3A_209 = arith.index_cast %rem3A_89 : i32 to index
        %get3A_210 = arith.index_cast %get3A_208 : i32 to index
        %get3A_211 = arith.index_cast %scan3A_137 : i32 to index
        %get3A_212 = arith.constant 0 : index
        %get3A_213 = tpu.vector_load %arg6[%get3A_209, %get3A_210, %get3A_211, %get3A_212] {strides = array<i32>} : memref<2x2x200x64xf32, #tpu.memory_space<vmem>>, vector<1x1x1x16xf32>,
        %get3A_214 = vector.shape_cast %get3A_213 : vector<1x1x1x16xf32> to vector<16xf32>
        %mul3A_215 = arith.constant 8.000000e+00 : f32
        %mul3A_216 = vector.broadcast %mul3A_215 : f32 to vector<16xf32>
        %mul3A_217 = arith.mulf %get3A_214, %mul3A_216 : vector<16xf32>
        %swap3A_218 = arith.constant 1 : i32
        %swap3A_219 = arith.index_cast %rem3A_89 : i32 to index
        %swap3A_220 = arith.index_cast %swap3A_218 : i32 to index
        %swap3A_221 = arith.index_cast %scan3A_137 : i32 to index
        %swap3A_222 = arith.constant 0 : index
        %swap3A_223 = tpu.vector_load %arg6[%swap3A_219, %swap3A_220, %swap3A_221, %swap3A_222] {strides = array<i32>} : memref<2x2x200x64xf32, #tpu.memory_space<vmem>>, vector<1x1x1x16xf32>,
        %swap3A_224 = vector.shape_cast %swap3A_223 : vector<1x1x1x16xf32> to vector<16xf32>
        %swap3A_225 = vector.shape_cast %mul3A_217 : vector<16xf32> to vector<1x1x1x16xf32>
        tpu.vector_store %arg6[%swap3A_219, %swap3A_220, %swap3A_221, %swap3A_222], %swap3A_225 {strides = array<i32>} : memref<2x2x200x64xf32, #tpu.memory_space<vmem>>, vector<1x1x1x16xf32>,
        %get3A_226 = arith.constant 1 : i32
        %get3A_227 = arith.index_cast %rem3A_89 : i32 to index
        %get3A_228 = arith.index_cast %get3A_226 : i32 to index
        %get3A_229 = arith.index_cast %scan3A_137 : i32 to index
        %get3A_230 = arith.constant 16 : index
        %get3A_231 = tpu.vector_load %arg6[%get3A_227, %get3A_228, %get3A_229, %get3A_230] {strides = array<i32>} : memref<2x2x200x64xf32, #tpu.memory_space<vmem>>, vector<1x1x1x16xf32>,
        %get3A_232 = vector.shape_cast %get3A_231 : vector<1x1x1x16xf32> to vector<16xf32>
        %mul3A_233 = arith.constant 8.000000e+00 : f32
        %mul3A_234 = vector.broadcast %mul3A_233 : f32 to vector<16xf32>
        %mul3A_235 = arith.mulf %get3A_232, %mul3A_234 : vector<16xf32>
        %swap3A_236 = arith.constant 1 : i32
        %swap3A_237 = arith.index_cast %rem3A_89 : i32 to index
        %swap3A_238 = arith.index_cast %swap3A_236 : i32 to index
        %swap3A_239 = arith.index_cast %scan3A_137 : i32 to index
        %swap3A_240 = arith.constant 16 : index
        %swap3A_241 = tpu.vector_load %arg6[%swap3A_237, %swap3A_238, %swap3A_239, %swap3A_240] {strides = array<i32>} : memref<2x2x200x64xf32, #tpu.memory_space<vmem>>, vector<1x1x1x16xf32>,
        %swap3A_242 = vector.shape_cast %swap3A_241 : vector<1x1x1x16xf32> to vector<16xf32>
        %swap3A_243 = vector.shape_cast %mul3A_235 : vector<16xf32> to vector<1x1x1x16xf32>
        tpu.vector_store %arg6[%swap3A_237, %swap3A_238, %swap3A_239, %swap3A_240], %swap3A_243 {strides = array<i32>} : memref<2x2x200x64xf32, #tpu.memory_space<vmem>>, vector<1x1x1x16xf32>,
        %get3A_244 = arith.constant 1 : i32
        %get3A_245 = arith.index_cast %rem3A_89 : i32 to index
        %get3A_246 = arith.index_cast %get3A_244 : i32 to index
        %get3A_247 = arith.index_cast %scan3A_137 : i32 to index
        %get3A_248 = arith.constant 32 : index
        %get3A_249 = tpu.vector_load %arg6[%get3A_245, %get3A_246, %get3A_247, %get3A_248] {strides = array<i32>} : memref<2x2x200x64xf32, #tpu.memory_space<vmem>>, vector<1x1x1x16xf32>,
        %get3A_250 = vector.shape_cast %get3A_249 : vector<1x1x1x16xf32> to vector<16xf32>
        %mul3A_251 = arith.constant 8.000000e+00 : f32
        %mul3A_252 = vector.broadcast %mul3A_251 : f32 to vector<16xf32>
        %mul3A_253 = arith.mulf %get3A_250, %mul3A_252 : vector<16xf32>
        %swap3A_254 = arith.constant 1 : i32
        %swap3A_255 = arith.index_cast %rem3A_89 : i32 to index
        %swap3A_256 = arith.index_cast %swap3A_254 : i32 to index
        %swap3A_257 = arith.index_cast %scan3A_137 : i32 to index
        %swap3A_258 = arith.constant 32 : index
        %swap3A_259 = tpu.vector_load %arg6[%swap3A_255, %swap3A_256, %swap3A_257, %swap3A_258] {strides = array<i32>} : memref<2x2x200x64xf32, #tpu.memory_space<vmem>>, vector<1x1x1x16xf32>,
        %swap3A_260 = vector.shape_cast %swap3A_259 : vector<1x1x1x16xf32> to vector<16xf32>
        %swap3A_261 = vector.shape_cast %mul3A_253 : vector<16xf32> to vector<1x1x1x16xf32>
        tpu.vector_store %arg6[%swap3A_255, %swap3A_256, %swap3A_257, %swap3A_258], %swap3A_261 {strides = array<i32>} : memref<2x2x200x64xf32, #tpu.memory_space<vmem>>, vector<1x1x1x16xf32>,
        %get3A_262 = arith.constant 1 : i32
        %get3A_263 = arith.index_cast %rem3A_89 : i32 to index
        %get3A_264 = arith.index_cast %get3A_262 : i32 to index
        %get3A_265 = arith.index_cast %scan3A_137 : i32 to index
        %get3A_266 = arith.constant 48 : index
        %get3A_267 = tpu.vector_load %arg6[%get3A_263, %get3A_264, %get3A_265, %get3A_266] {strides = array<i32>} : memref<2x2x200x64xf32, #tpu.memory_space<vmem>>, vector<1x1x1x16xf32>,
        %get3A_268 = vector.shape_cast %get3A_267 : vector<1x1x1x16xf32> to vector<16xf32>
        %mul3A_269 = arith.constant 8.000000e+00 : f32
        %mul3A_270 = vector.broadcast %mul3A_269 : f32 to vector<16xf32>
        %mul3A_271 = arith.mulf %get3A_268, %mul3A_270 : vector<16xf32>
        %swap3A_272 = arith.constant 1 : i32
        %swap3A_273 = arith.index_cast %rem3A_89 : i32 to index
        %swap3A_274 = arith.index_cast %swap3A_272 : i32 to index
        %swap3A_275 = arith.index_cast %scan3A_137 : i32 to index
        %swap3A_276 = arith.constant 48 : index
        %swap3A_277 = tpu.vector_load %arg6[%swap3A_273, %swap3A_274, %swap3A_275, %swap3A_276] {strides = array<i32>} : memref<2x2x200x64xf32, #tpu.memory_space<vmem>>, vector<1x1x1x16xf32>,
        %swap3A_278 = vector.shape_cast %swap3A_277 : vector<1x1x1x16xf32> to vector<16xf32>
        %swap3A_279 = vector.shape_cast %mul3A_271 : vector<16xf32> to vector<1x1x1x16xf32>
        tpu.vector_store %arg6[%swap3A_273, %swap3A_274, %swap3A_275, %swap3A_276], %swap3A_279 {strides = array<i32>} : memref<2x2x200x64xf32, #tpu.memory_space<vmem>>, vector<1x1x1x16xf32>,
        %scan3A_280 = arith.constant 1 : i32
        %scan3A_281 = arith.addi %scan3A_137, %scan3A_280 : i32
        %get3A_282 = arith.constant 0 : i32
        %get3A_283 = arith.index_cast %rem3A_89 : i32 to index
        %get3A_284 = arith.index_cast %get3A_282 : i32 to index
        %get3A_285 = arith.index_cast %scan3A_281 : i32 to index
        %get3A_286 = arith.constant 0 : index
        %get3A_287 = tpu.vector_load %arg6[%get3A_283, %get3A_284, %get3A_285, %get3A_286] {strides = array<i32>} : memref<2x2x200x64xf32, #tpu.memory_space<vmem>>, vector<1x1x1x16xf32>,
        %get3A_288 = vector.shape_cast %get3A_287 : vector<1x1x1x16xf32> to vector<16xf32>
        %mul3A_289 = arith.constant 8.000000e+00 : f32
        %mul3A_290 = vector.broadcast %mul3A_289 : f32 to vector<16xf32>
        %mul3A_291 = arith.mulf %get3A_288, %mul3A_290 : vector<16xf32>
        %swap3A_292 = arith.constant 0 : i32
        %swap3A_293 = arith.index_cast %rem3A_89 : i32 to index
        %swap3A_294 = arith.index_cast %swap3A_292 : i32 to index
        %swap3A_295 = arith.index_cast %scan3A_281 : i32 to index
        %swap3A_296 = arith.constant 0 : index
        %swap3A_297 = tpu.vector_load %arg6[%swap3A_293, %swap3A_294, %swap3A_295, %swap3A_296] {strides = array<i32>} : memref<2x2x200x64xf32, #tpu.memory_space<vmem>>, vector<1x1x1x16xf32>,
        %swap3A_298 = vector.shape_cast %swap3A_297 : vector<1x1x1x16xf32> to vector<16xf32>
        %swap3A_299 = vector.shape_cast %mul3A_291 : vector<16xf32> to vector<1x1x1x16xf32>
        tpu.vector_store %arg6[%swap3A_293, %swap3A_294, %swap3A_295, %swap3A_296], %swap3A_299 {strides = array<i32>} : memref<2x2x200x64xf32, #tpu.memory_space<vmem>>, vector<1x1x1x16xf32>,
        %get3A_300 = arith.constant 0 : i32
        %get3A_301 = arith.index_cast %rem3A_89 : i32 to index
        %get3A_302 = arith.index_cast %get3A_300 : i32 to index
        %get3A_303 = arith.index_cast %scan3A_281 : i32 to index
        %get3A_304 = arith.constant 16 : index
        %get3A_305 = tpu.vector_load %arg6[%get3A_301, %get3A_302, %get3A_303, %get3A_304] {strides = array<i32>} : memref<2x2x200x64xf32, #tpu.memory_space<vmem>>, vector<1x1x1x16xf32>,
        %get3A_306 = vector.shape_cast %get3A_305 : vector<1x1x1x16xf32> to vector<16xf32>
        %mul3A_307 = arith.constant 8.000000e+00 : f32
        %mul3A_308 = vector.broadcast %mul3A_307 : f32 to vector<16xf32>
        %mul3A_309 = arith.mulf %get3A_306, %mul3A_308 : vector<16xf32>
        %swap3A_310 = arith.constant 0 : i32
        %swap3A_311 = arith.index_cast %rem3A_89 : i32 to index
        %swap3A_312 = arith.index_cast %swap3A_310 : i32 to index
        %swap3A_313 = arith.index_cast %scan3A_281 : i32 to index
        %swap3A_314 = arith.constant 16 : index
        %swap3A_315 = tpu.vector_load %arg6[%swap3A_311, %swap3A_312, %swap3A_313, %swap3A_314] {strides = array<i32>} : memref<2x2x200x64xf32, #tpu.memory_space<vmem>>, vector<1x1x1x16xf32>,
        %swap3A_316 = vector.shape_cast %swap3A_315 : vector<1x1x1x16xf32> to vector<16xf32>
        %swap3A_317 = vector.shape_cast %mul3A_309 : vector<16xf32> to vector<1x1x1x16xf32>
        tpu.vector_store %arg6[%swap3A_311, %swap3A_312, %swap3A_313, %swap3A_314], %swap3A_317 {strides = array<i32>} : memref<2x2x200x64xf32, #tpu.memory_space<vmem>>, vector<1x1x1x16xf32>,
        %get3A_318 = arith.constant 0 : i32
        %get3A_319 = arith.index_cast %rem3A_89 : i32 to index
        %get3A_320 = arith.index_cast %get3A_318 : i32 to index
        %get3A_321 = arith.index_cast %scan3A_281 : i32 to index
        %get3A_322 = arith.constant 32 : index
        %get3A_323 = tpu.vector_load %arg6[%get3A_319, %get3A_320, %get3A_321, %get3A_322] {strides = array<i32>} : memref<2x2x200x64xf32, #tpu.memory_space<vmem>>, vector<1x1x1x16xf32>,
        %get3A_324 = vector.shape_cast %get3A_323 : vector<1x1x1x16xf32> to vector<16xf32>
        %mul3A_325 = arith.constant 8.000000e+00 : f32
        %mul3A_326 = vector.broadcast %mul3A_325 : f32 to vector<16xf32>
        %mul3A_327 = arith.mulf %get3A_324, %mul3A_326 : vector<16xf32>
        %swap3A_328 = arith.constant 0 : i32
        %swap3A_329 = arith.index_cast %rem3A_89 : i32 to index
        %swap3A_330 = arith.index_cast %swap3A_328 : i32 to index
        %swap3A_331 = arith.index_cast %scan3A_281 : i32 to index
        %swap3A_332 = arith.constant 32 : index
        %swap3A_333 = tpu.vector_load %arg6[%swap3A_329, %swap3A_330, %swap3A_331, %swap3A_332] {strides = array<i32>} : memref<2x2x200x64xf32, #tpu.memory_space<vmem>>, vector<1x1x1x16xf32>,
        %swap3A_334 = vector.shape_cast %swap3A_333 : vector<1x1x1x16xf32> to vector<16xf32>
        %swap3A_335 = vector.shape_cast %mul3A_327 : vector<16xf32> to vector<1x1x1x16xf32>
        tpu.vector_store %arg6[%swap3A_329, %swap3A_330, %swap3A_331, %swap3A_332], %swap3A_335 {strides = array<i32>} : memref<2x2x200x64xf32, #tpu.memory_space<vmem>>, vector<1x1x1x16xf32>,
        %get3A_336 = arith.constant 0 : i32
        %get3A_337 = arith.index_cast %rem3A_89 : i32 to index
        %get3A_338 = arith.index_cast %get3A_336 : i32 to index
        %get3A_339 = arith.index_cast %scan3A_281 : i32 to index
        %get3A_340 = arith.constant 48 : index
        %get3A_341 = tpu.vector_load %arg6[%get3A_337, %get3A_338, %get3A_339, %get3A_340] {strides = array<i32>} : memref<2x2x200x64xf32, #tpu.memory_space<vmem>>, vector<1x1x1x16xf32>,
        %get3A_342 = vector.shape_cast %get3A_341 : vector<1x1x1x16xf32> to vector<16xf32>
        %mul3A_343 = arith.constant 8.000000e+00 : f32
        %mul3A_344 = vector.broadcast %mul3A_343 : f32 to vector<16xf32>
        %mul3A_345 = arith.mulf %get3A_342, %mul3A_344 : vector<16xf32>
        %swap3A_346 = arith.constant 0 : i32
        %swap3A_347 = arith.index_cast %rem3A_89 : i32 to index
        %swap3A_348 = arith.index_cast %swap3A_346 : i32 to index
        %swap3A_349 = arith.index_cast %scan3A_281 : i32 to index
        %swap3A_350 = arith.constant 48 : index
        %swap3A_351 = tpu.vector_load %arg6[%swap3A_347, %swap3A_348, %swap3A_349, %swap3A_350] {strides = array<i32>} : memref<2x2x200x64xf32, #tpu.memory_space<vmem>>, vector<1x1x1x16xf32>,
        %swap3A_352 = vector.shape_cast %swap3A_351 : vector<1x1x1x16xf32> to vector<16xf32>
        %swap3A_353 = vector.shape_cast %mul3A_345 : vector<16xf32> to vector<1x1x1x16xf32>
        tpu.vector_store %arg6[%swap3A_347, %swap3A_348, %swap3A_349, %swap3A_350], %swap3A_353 {strides = array<i32>} : memref<2x2x200x64xf32, #tpu.memory_space<vmem>>, vector<1x1x1x16xf32>,
        %get3A_354 = arith.constant 1 : i32
        %get3A_355 = arith.index_cast %rem3A_89 : i32 to index
        %get3A_356 = arith.index_cast %get3A_354 : i32 to index
        %get3A_357 = arith.index_cast %scan3A_281 : i32 to index
        %get3A_358 = arith.constant 0 : index
        %get3A_359 = tpu.vector_load %arg6[%get3A_355, %get3A_356, %get3A_357, %get3A_358] {strides = array<i32>} : memref<2x2x200x64xf32, #tpu.memory_space<vmem>>, vector<1x1x1x16xf32>,
        %get3A_360 = vector.shape_cast %get3A_359 : vector<1x1x1x16xf32> to vector<16xf32>
        %mul3A_361 = arith.constant 8.000000e+00 : f32
        %mul3A_362 = vector.broadcast %mul3A_361 : f32 to vector<16xf32>
        %mul3A_363 = arith.mulf %get3A_360, %mul3A_362 : vector<16xf32>
        %swap3A_364 = arith.constant 1 : i32
        %swap3A_365 = arith.index_cast %rem3A_89 : i32 to index
        %swap3A_366 = arith.index_cast %swap3A_364 : i32 to index
        %swap3A_367 = arith.index_cast %scan3A_281 : i32 to index
        %swap3A_368 = arith.constant 0 : index
        %swap3A_369 = tpu.vector_load %arg6[%swap3A_365, %swap3A_366, %swap3A_367, %swap3A_368] {strides = array<i32>} : memref<2x2x200x64xf32, #tpu.memory_space<vmem>>, vector<1x1x1x16xf32>,
        %swap3A_370 = vector.shape_cast %swap3A_369 : vector<1x1x1x16xf32> to vector<16xf32>
        %swap3A_371 = vector.shape_cast %mul3A_363 : vector<16xf32> to vector<1x1x1x16xf32>
        tpu.vector_store %arg6[%swap3A_365, %swap3A_366, %swap3A_367, %swap3A_368], %swap3A_371 {strides = array<i32>} : memref<2x2x200x64xf32, #tpu.memory_space<vmem>>, vector<1x1x1x16xf32>,
        %get3A_372 = arith.constant 1 : i32
        %get3A_373 = arith.index_cast %rem3A_89 : i32 to index
        %get3A_374 = arith.index_cast %get3A_372 : i32 to index
        %get3A_375 = arith.index_cast %scan3A_281 : i32 to index
        %get3A_376 = arith.constant 16 : index
        %get3A_377 = tpu.vector_load %arg6[%get3A_373, %get3A_374, %get3A_375, %get3A_376] {strides = array<i32>} : memref<2x2x200x64xf32, #tpu.memory_space<vmem>>, vector<1x1x1x16xf32>,
        %get3A_378 = vector.shape_cast %get3A_377 : vector<1x1x1x16xf32> to vector<16xf32>
        %mul3A_379 = arith.constant 8.000000e+00 : f32
        %mul3A_380 = vector.broadcast %mul3A_379 : f32 to vector<16xf32>
        %mul3A_381 = arith.mulf %get3A_378, %mul3A_380 : vector<16xf32>
        %swap3A_382 = arith.constant 1 : i32
        %swap3A_383 = arith.index_cast %rem3A_89 : i32 to index
        %swap3A_384 = arith.index_cast %swap3A_382 : i32 to index
        %swap3A_385 = arith.index_cast %scan3A_281 : i32 to index
        %swap3A_386 = arith.constant 16 : index
        %swap3A_387 = tpu.vector_load %arg6[%swap3A_383, %swap3A_384, %swap3A_385, %swap3A_386] {strides = array<i32>} : memref<2x2x200x64xf32, #tpu.memory_space<vmem>>, vector<1x1x1x16xf32>,
        %swap3A_388 = vector.shape_cast %swap3A_387 : vector<1x1x1x16xf32> to vector<16xf32>
        %swap3A_389 = vector.shape_cast %mul3A_381 : vector<16xf32> to vector<1x1x1x16xf32>
        tpu.vector_store %arg6[%swap3A_383, %swap3A_384, %swap3A_385, %swap3A_386], %swap3A_389 {strides = array<i32>} : memref<2x2x200x64xf32, #tpu.memory_space<vmem>>, vector<1x1x1x16xf32>,
        %get3A_390 = arith.constant 1 : i32
        %get3A_391 = arith.index_cast %rem3A_89 : i32 to index
        %get3A_392 = arith.index_cast %get3A_390 : i32 to index
        %get3A_393 = arith.index_cast %scan3A_281 : i32 to index
        %get3A_394 = arith.constant 32 : index
        %get3A_395 = tpu.vector_load %arg6[%get3A_391, %get3A_392, %get3A_393, %get3A_394] {strides = array<i32>} : memref<2x2x200x64xf32, #tpu.memory_space<vmem>>, vector<1x1x1x16xf32>,
        %get3A_396 = vector.shape_cast %get3A_395 : vector<1x1x1x16xf32> to vector<16xf32>
        %mul3A_397 = arith.constant 8.000000e+00 : f32
        %mul3A_398 = vector.broadcast %mul3A_397 : f32 to vector<16xf32>
        %mul3A_399 = arith.mulf %get3A_396, %mul3A_398 : vector<16xf32>
        %swap3A_400 = arith.constant 1 : i32
        %swap3A_401 = arith.index_cast %rem3A_89 : i32 to index
        %swap3A_402 = arith.index_cast %swap3A_400 : i32 to index
        %swap3A_403 = arith.index_cast %scan3A_281 : i32 to index
        %swap3A_404 = arith.constant 32 : index
        %swap3A_405 = tpu.vector_load %arg6[%swap3A_401, %swap3A_402, %swap3A_403, %swap3A_404] {strides = array<i32>} : memref<2x2x200x64xf32, #tpu.memory_space<vmem>>, vector<1x1x1x16xf32>,
        %swap3A_406 = vector.shape_cast %swap3A_405 : vector<1x1x1x16xf32> to vector<16xf32>
        %swap3A_407 = vector.shape_cast %mul3A_399 : vector<16xf32> to vector<1x1x1x16xf32>
        tpu.vector_store %arg6[%swap3A_401, %swap3A_402, %swap3A_403, %swap3A_404], %swap3A_407 {strides = array<i32>} : memref<2x2x200x64xf32, #tpu.memory_space<vmem>>, vector<1x1x1x16xf32>,
        %get3A_408 = arith.constant 1 : i32
        %get3A_409 = arith.index_cast %rem3A_89 : i32 to index
        %get3A_410 = arith.index_cast %get3A_408 : i32 to index
        %get3A_411 = arith.index_cast %scan3A_281 : i32 to index
        %get3A_412 = arith.constant 48 : index
        %get3A_413 = tpu.vector_load %arg6[%get3A_409, %get3A_410, %get3A_411, %get3A_412] {strides = array<i32>} : memref<2x2x200x64xf32, #tpu.memory_space<vmem>>, vector<1x1x1x16xf32>,
        %get3A_414 = vector.shape_cast %get3A_413 : vector<1x1x1x16xf32> to vector<16xf32>
        %mul3A_415 = arith.constant 8.000000e+00 : f32
        %mul3A_416 = vector.broadcast %mul3A_415 : f32 to vector<16xf32>
        %mul3A_417 = arith.mulf %get3A_414, %mul3A_416 : vector<16xf32>
        %swap3A_418 = arith.constant 1 : i32
        %swap3A_419 = arith.index_cast %rem3A_89 : i32 to index
        %swap3A_420 = arith.index_cast %swap3A_418 : i32 to index
        %swap3A_421 = arith.index_cast %scan3A_281 : i32 to index
        %swap3A_422 = arith.constant 48 : index
        %swap3A_423 = tpu.vector_load %arg6[%swap3A_419, %swap3A_420, %swap3A_421, %swap3A_422] {strides = array<i32>} : memref<2x2x200x64xf32, #tpu.memory_space<vmem>>, vector<1x1x1x16xf32>,
        %swap3A_424 = vector.shape_cast %swap3A_423 : vector<1x1x1x16xf32> to vector<16xf32>
        %swap3A_425 = vector.shape_cast %mul3A_417 : vector<16xf32> to vector<1x1x1x16xf32>
        tpu.vector_store %arg6[%swap3A_419, %swap3A_420, %swap3A_421, %swap3A_422], %swap3A_425 {strides = array<i32>} : memref<2x2x200x64xf32, #tpu.memory_space<vmem>>, vector<1x1x1x16xf32>,
        %scan3A_426 = arith.constant 2 : i32
        %scan3A_427 = arith.addi %scan3A_137, %scan3A_426 : i32
        %get3A_428 = arith.constant 0 : i32
        %get3A_429 = arith.index_cast %rem3A_89 : i32 to index
        %get3A_430 = arith.index_cast %get3A_428 : i32 to index
        %get3A_431 = arith.index_cast %scan3A_427 : i32 to index
        %get3A_432 = arith.constant 0 : index
        %get3A_433 = tpu.vector_load %arg6[%get3A_429, %get3A_430, %get3A_431, %get3A_432] {strides = array<i32>} : memref<2x2x200x64xf32, #tpu.memory_space<vmem>>, vector<1x1x1x16xf32>,
        %get3A_434 = vector.shape_cast %get3A_433 : vector<1x1x1x16xf32> to vector<16xf32>
        %mul3A_435 = arith.constant 8.000000e+00 : f32
        %mul3A_436 = vector.broadcast %mul3A_435 : f32 to vector<16xf32>
        %mul3A_437 = arith.mulf %get3A_434, %mul3A_436 : vector<16xf32>
        %swap3A_438 = arith.constant 0 : i32
        %swap3A_439 = arith.index_cast %rem3A_89 : i32 to index
        %swap3A_440 = arith.index_cast %swap3A_438 : i32 to index
        %swap3A_441 = arith.index_cast %scan3A_427 : i32 to index
        %swap3A_442 = arith.constant 0 : index
        %swap3A_443 = tpu.vector_load %arg6[%swap3A_439, %swap3A_440, %swap3A_441, %swap3A_442] {strides = array<i32>} : memref<2x2x200x64xf32, #tpu.memory_space<vmem>>, vector<1x1x1x16xf32>,
        %swap3A_444 = vector.shape_cast %swap3A_443 : vector<1x1x1x16xf32> to vector<16xf32>
        %swap3A_445 = vector.shape_cast %mul3A_437 : vector<16xf32> to vector<1x1x1x16xf32>
        tpu.vector_store %arg6[%swap3A_439, %swap3A_440, %swap3A_441, %swap3A_442], %swap3A_445 {strides = array<i32>} : memref<2x2x200x64xf32, #tpu.memory_space<vmem>>, vector<1x1x1x16xf32>,
        %get3A_446 = arith.constant 0 : i32
        %get3A_447 = arith.index_cast %rem3A_89 : i32 to index
        %get3A_448 = arith.index_cast %get3A_446 : i32 to index
        %get3A_449 = arith.index_cast %scan3A_427 : i32 to index
        %get3A_450 = arith.constant 16 : index
        %get3A_451 = tpu.vector_load %arg6[%get3A_447, %get3A_448, %get3A_449, %get3A_450] {strides = array<i32>} : memref<2x2x200x64xf32, #tpu.memory_space<vmem>>, vector<1x1x1x16xf32>,
        %get3A_452 = vector.shape_cast %get3A_451 : vector<1x1x1x16xf32> to vector<16xf32>
        %mul3A_453 = arith.constant 8.000000e+00 : f32
        %mul3A_454 = vector.broadcast %mul3A_453 : f32 to vector<16xf32>
        %mul3A_455 = arith.mulf %get3A_452, %mul3A_454 : vector<16xf32>
        %swap3A_456 = arith.constant 0 : i32
        %swap3A_457 = arith.index_cast %rem3A_89 : i32 to index
        %swap3A_458 = arith.index_cast %swap3A_456 : i32 to index
        %swap3A_459 = arith.index_cast %scan3A_427 : i32 to index
        %swap3A_460 = arith.constant 16 : index
        %swap3A_461 = tpu.vector_load %arg6[%swap3A_457, %swap3A_458, %swap3A_459, %swap3A_460] {strides = array<i32>} : memref<2x2x200x64xf32, #tpu.memory_space<vmem>>, vector<1x1x1x16xf32>,
        %swap3A_462 = vector.shape_cast %swap3A_461 : vector<1x1x1x16xf32> to vector<16xf32>
        %swap3A_463 = vector.shape_cast %mul3A_455 : vector<16xf32> to vector<1x1x1x16xf32>
        tpu.vector_store %arg6[%swap3A_457, %swap3A_458, %swap3A_459, %swap3A_460], %swap3A_463 {strides = array<i32>} : memref<2x2x200x64xf32, #tpu.memory_space<vmem>>, vector<1x1x1x16xf32>,
        %get3A_464 = arith.constant 0 : i32
        %get3A_465 = arith.index_cast %rem3A_89 : i32 to index
        %get3A_466 = arith.index_cast %get3A_464 : i32 to index
        %get3A_467 = arith.index_cast %scan3A_427 : i32 to index
        %get3A_468 = arith.constant 32 : index
        %get3A_469 = tpu.vector_load %arg6[%get3A_465, %get3A_466, %get3A_467, %get3A_468] {strides = array<i32>} : memref<2x2x200x64xf32, #tpu.memory_space<vmem>>, vector<1x1x1x16xf32>,
        %get3A_470 = vector.shape_cast %get3A_469 : vector<1x1x1x16xf32> to vector<16xf32>
        %mul3A_471 = arith.constant 8.000000e+00 : f32
        %mul3A_472 = vector.broadcast %mul3A_471 : f32 to vector<16xf32>
        %mul3A_473 = arith.mulf %get3A_470, %mul3A_472 : vector<16xf32>
        %swap3A_474 = arith.constant 0 : i32
        %swap3A_475 = arith.index_cast %rem3A_89 : i32 to index
        %swap3A_476 = arith.index_cast %swap3A_474 : i32 to index
        %swap3A_477 = arith.index_cast %scan3A_427 : i32 to index
        %swap3A_478 = arith.constant 32 : index
        %swap3A_479 = tpu.vector_load %arg6[%swap3A_475, %swap3A_476, %swap3A_477, %swap3A_478] {strides = array<i32>} : memref<2x2x200x64xf32, #tpu.memory_space<vmem>>, vector<1x1x1x16xf32>,
        %swap3A_480 = vector.shape_cast %swap3A_479 : vector<1x1x1x16xf32> to vector<16xf32>
        %swap3A_481 = vector.shape_cast %mul3A_473 : vector<16xf32> to vector<1x1x1x16xf32>
        tpu.vector_store %arg6[%swap3A_475, %swap3A_476, %swap3A_477, %swap3A_478], %swap3A_481 {strides = array<i32>} : memref<2x2x200x64xf32, #tpu.memory_space<vmem>>, vector<1x1x1x16xf32>,
        %get3A_482 = arith.constant 0 : i32
        %get3A_483 = arith.index_cast %rem3A_89 : i32 to index
        %get3A_484 = arith.index_cast %get3A_482 : i32 to index
        %get3A_485 = arith.index_cast %scan3A_427 : i32 to index
        %get3A_486 = arith.constant 48 : index
        %get3A_487 = tpu.vector_load %arg6[%get3A_483, %get3A_484, %get3A_485, %get3A_486] {strides = array<i32>} : memref<2x2x200x64xf32, #tpu.memory_space<vmem>>, vector<1x1x1x16xf32>,
        %get3A_488 = vector.shape_cast %get3A_487 : vector<1x1x1x16xf32> to vector<16xf32>
        %mul3A_489 = arith.constant 8.000000e+00 : f32
        %mul3A_490 = vector.broadcast %mul3A_489 : f32 to vector<16xf32>
        %mul3A_491 = arith.mulf %get3A_488, %mul3A_490 : vector<16xf32>
        %swap3A_492 = arith.constant 0 : i32
        %swap3A_493 = arith.index_cast %rem3A_89 : i32 to index
        %swap3A_494 = arith.index_cast %swap3A_492 : i32 to index
        %swap3A_495 = arith.index_cast %scan3A_427 : i32 to index
        %swap3A_496 = arith.constant 48 : index
        %swap3A_497 = tpu.vector_load %arg6[%swap3A_493, %swap3A_494, %swap3A_495, %swap3A_496] {strides = array<i32>} : memref<2x2x200x64xf32, #tpu.memory_space<vmem>>, vector<1x1x1x16xf32>,
        %swap3A_498 = vector.shape_cast %swap3A_497 : vector<1x1x1x16xf32> to vector<16xf32>
        %swap3A_499 = vector.shape_cast %mul3A_491 : vector<16xf32> to vector<1x1x1x16xf32>
        tpu.vector_store %arg6[%swap3A_493, %swap3A_494, %swap3A_495, %swap3A_496], %swap3A_499 {strides = array<i32>} : memref<2x2x200x64xf32, #tpu.memory_space<vmem>>, vector<1x1x1x16xf32>,
        %get3A_500 = arith.constant 1 : i32
        %get3A_501 = arith.index_cast %rem3A_89 : i32 to index
        %get3A_502 = arith.index_cast %get3A_500 : i32 to index
        %get3A_503 = arith.index_cast %scan3A_427 : i32 to index
        %get3A_504 = arith.constant 0 : index
        %get3A_505 = tpu.vector_load %arg6[%get3A_501, %get3A_502, %get3A_503, %get3A_504] {strides = array<i32>} : memref<2x2x200x64xf32, #tpu.memory_space<vmem>>, vector<1x1x1x16xf32>,
        %get3A_506 = vector.shape_cast %get3A_505 : vector<1x1x1x16xf32> to vector<16xf32>
        %mul3A_507 = arith.constant 8.000000e+00 : f32
        %mul3A_508 = vector.broadcast %mul3A_507 : f32 to vector<16xf32>
        %mul3A_509 = arith.mulf %get3A_506, %mul3A_508 : vector<16xf32>
        %swap3A_510 = arith.constant 1 : i32
        %swap3A_511 = arith.index_cast %rem3A_89 : i32 to index
        %swap3A_512 = arith.index_cast %swap3A_510 : i32 to index
        %swap3A_513 = arith.index_cast %scan3A_427 : i32 to index
        %swap3A_514 = arith.constant 0 : index
        %swap3A_515 = tpu.vector_load %arg6[%swap3A_511, %swap3A_512, %swap3A_513, %swap3A_514] {strides = array<i32>} : memref<2x2x200x64xf32, #tpu.memory_space<vmem>>, vector<1x1x1x16xf32>,
        %swap3A_516 = vector.shape_cast %swap3A_515 : vector<1x1x1x16xf32> to vector<16xf32>
        %swap3A_517 = vector.shape_cast %mul3A_509 : vector<16xf32> to vector<1x1x1x16xf32>
        tpu.vector_store %arg6[%swap3A_511, %swap3A_512, %swap3A_513, %swap3A_514], %swap3A_517 {strides = array<i32>} : memref<2x2x200x64xf32, #tpu.memory_space<vmem>>, vector<1x1x1x16xf32>,
        %get3A_518 = arith.constant 1 : i32
        %get3A_519 = arith.index_cast %rem3A_89 : i32 to index
        %get3A_520 = arith.index_cast %get3A_518 : i32 to index
        %get3A_521 = arith.index_cast %scan3A_427 : i32 to index
        %get3A_522 = arith.constant 16 : index
        %get3A_523 = tpu.vector_load %arg6[%get3A_519, %get3A_520, %get3A_521, %get3A_522] {strides = array<i32>} : memref<2x2x200x64xf32, #tpu.memory_space<vmem>>, vector<1x1x1x16xf32>,
        %get3A_524 = vector.shape_cast %get3A_523 : vector<1x1x1x16xf32> to vector<16xf32>
        %mul3A_525 = arith.constant 8.000000e+00 : f32
        %mul3A_526 = vector.broadcast %mul3A_525 : f32 to vector<16xf32>
        %mul3A_527 = arith.mulf %get3A_524, %mul3A_526 : vector<16xf32>
        %swap3A_528 = arith.constant 1 : i32
        %swap3A_529 = arith.index_cast %rem3A_89 : i32 to index
        %swap3A_530 = arith.index_cast %swap3A_528 : i32 to index
        %swap3A_531 = arith.index_cast %scan3A_427 : i32 to index
        %swap3A_532 = arith.constant 16 : index
        %swap3A_533 = tpu.vector_load %arg6[%swap3A_529, %swap3A_530, %swap3A_531, %swap3A_532] {strides = array<i32>} : memref<2x2x200x64xf32, #tpu.memory_space<vmem>>, vector<1x1x1x16xf32>,
        %swap3A_534 = vector.shape_cast %swap3A_533 : vector<1x1x1x16xf32> to vector<16xf32>
        %swap3A_535 = vector.shape_cast %mul3A_527 : vector<16xf32> to vector<1x1x1x16xf32>
        tpu.vector_store %arg6[%swap3A_529, %swap3A_530, %swap3A_531, %swap3A_532], %swap3A_535 {strides = array<i32>} : memref<2x2x200x64xf32, #tpu.memory_space<vmem>>, vector<1x1x1x16xf32>,
        %get3A_536 = arith.constant 1 : i32
        %get3A_537 = arith.index_cast %rem3A_89 : i32 to index
        %get3A_538 = arith.index_cast %get3A_536 : i32 to index
        %get3A_539 = arith.index_cast %scan3A_427 : i32 to index
        %get3A_540 = arith.constant 32 : index
        %get3A_541 = tpu.vector_load %arg6[%get3A_537, %get3A_538, %get3A_539, %get3A_540] {strides = array<i32>} : memref<2x2x200x64xf32, #tpu.memory_space<vmem>>, vector<1x1x1x16xf32>,
        %get3A_542 = vector.shape_cast %get3A_541 : vector<1x1x1x16xf32> to vector<16xf32>
        %mul3A_543 = arith.constant 8.000000e+00 : f32
        %mul3A_544 = vector.broadcast %mul3A_543 : f32 to vector<16xf32>
        %mul3A_545 = arith.mulf %get3A_542, %mul3A_544 : vector<16xf32>
        %swap3A_546 = arith.constant 1 : i32
        %swap3A_547 = arith.index_cast %rem3A_89 : i32 to index
        %swap3A_548 = arith.index_cast %swap3A_546 : i32 to index
        %swap3A_549 = arith.index_cast %scan3A_427 : i32 to index
        %swap3A_550 = arith.constant 32 : index
        %swap3A_551 = tpu.vector_load %arg6[%swap3A_547, %swap3A_548, %swap3A_549, %swap3A_550] {strides = array<i32>} : memref<2x2x200x64xf32, #tpu.memory_space<vmem>>, vector<1x1x1x16xf32>,
        %swap3A_552 = vector.shape_cast %swap3A_551 : vector<1x1x1x16xf32> to vector<16xf32>
        %swap3A_553 = vector.shape_cast %mul3A_545 : vector<16xf32> to vector<1x1x1x16xf32>
        tpu.vector_store %arg6[%swap3A_547, %swap3A_548, %swap3A_549, %swap3A_550], %swap3A_553 {strides = array<i32>} : memref<2x2x200x64xf32, #tpu.memory_space<vmem>>, vector<1x1x1x16xf32>,
        %get3A_554 = arith.constant 1 : i32
        %get3A_555 = arith.index_cast %rem3A_89 : i32 to index
        %get3A_556 = arith.index_cast %get3A_554 : i32 to index
        %get3A_557 = arith.index_cast %scan3A_427 : i32 to index
        %get3A_558 = arith.constant 48 : index
        %get3A_559 = tpu.vector_load %arg6[%get3A_555, %get3A_556, %get3A_557, %get3A_558] {strides = array<i32>} : memref<2x2x200x64xf32, #tpu.memory_space<vmem>>, vector<1x1x1x16xf32>,
        %get3A_560 = vector.shape_cast %get3A_559 : vector<1x1x1x16xf32> to vector<16xf32>
        %mul3A_561 = arith.constant 8.000000e+00 : f32
        %mul3A_562 = vector.broadcast %mul3A_561 : f32 to vector<16xf32>
        %mul3A_563 = arith.mulf %get3A_560, %mul3A_562 : vector<16xf32>
        %swap3A_564 = arith.constant 1 : i32
        %swap3A_565 = arith.index_cast %rem3A_89 : i32 to index
        %swap3A_566 = arith.index_cast %swap3A_564 : i32 to index
        %swap3A_567 = arith.index_cast %scan3A_427 : i32 to index
        %swap3A_568 = arith.constant 48 : index
        %swap3A_569 = tpu.vector_load %arg6[%swap3A_565, %swap3A_566, %swap3A_567, %swap3A_568] {strides = array<i32>} : memref<2x2x200x64xf32, #tpu.memory_space<vmem>>, vector<1x1x1x16xf32>,
        %swap3A_570 = vector.shape_cast %swap3A_569 : vector<1x1x1x16xf32> to vector<16xf32>
        %swap3A_571 = vector.shape_cast %mul3A_563 : vector<16xf32> to vector<1x1x1x16xf32>
        tpu.vector_store %arg6[%swap3A_565, %swap3A_566, %swap3A_567, %swap3A_568], %swap3A_571 {strides = array<i32>} : memref<2x2x200x64xf32, #tpu.memory_space<vmem>>, vector<1x1x1x16xf32>,
        %scan3A_572 = arith.constant 3 : i32
        %scan3A_573 = arith.addi %scan3A_137, %scan3A_572 : i32
        %get3A_574 = arith.constant 0 : i32
        %get3A_575 = arith.index_cast %rem3A_89 : i32 to index
        %get3A_576 = arith.index_cast %get3A_574 : i32 to index
        %get3A_577 = arith.index_cast %scan3A_573 : i32 to index
        %get3A_578 = arith.constant 0 : index
        %get3A_579 = tpu.vector_load %arg6[%get3A_575, %get3A_576, %get3A_577, %get3A_578] {strides = array<i32>} : memref<2x2x200x64xf32, #tpu.memory_space<vmem>>, vector<1x1x1x16xf32>,
        %get3A_580 = vector.shape_cast %get3A_579 : vector<1x1x1x16xf32> to vector<16xf32>
        %mul3A_581 = arith.constant 8.000000e+00 : f32
        %mul3A_582 = vector.broadcast %mul3A_581 : f32 to vector<16xf32>
        %mul3A_583 = arith.mulf %get3A_580, %mul3A_582 : vector<16xf32>
        %swap3A_584 = arith.constant 0 : i32
        %swap3A_585 = arith.index_cast %rem3A_89 : i32 to index
        %swap3A_586 = arith.index_cast %swap3A_584 : i32 to index
        %swap3A_587 = arith.index_cast %scan3A_573 : i32 to index
        %swap3A_588 = arith.constant 0 : index
        %swap3A_589 = tpu.vector_load %arg6[%swap3A_585, %swap3A_586, %swap3A_587, %swap3A_588] {strides = array<i32>} : memref<2x2x200x64xf32, #tpu.memory_space<vmem>>, vector<1x1x1x16xf32>,
        %swap3A_590 = vector.shape_cast %swap3A_589 : vector<1x1x1x16xf32> to vector<16xf32>
        %swap3A_591 = vector.shape_cast %mul3A_583 : vector<16xf32> to vector<1x1x1x16xf32>
        tpu.vector_store %arg6[%swap3A_585, %swap3A_586, %swap3A_587, %swap3A_588], %swap3A_591 {strides = array<i32>} : memref<2x2x200x64xf32, #tpu.memory_space<vmem>>, vector<1x1x1x16xf32>,
        %get3A_592 = arith.constant 0 : i32
        %get3A_593 = arith.index_cast %rem3A_89 : i32 to index
        %get3A_594 = arith.index_cast %get3A_592 : i32 to index
        %get3A_595 = arith.index_cast %scan3A_573 : i32 to index
        %get3A_596 = arith.constant 16 : index
        %get3A_597 = tpu.vector_load %arg6[%get3A_593, %get3A_594, %get3A_595, %get3A_596] {strides = array<i32>} : memref<2x2x200x64xf32, #tpu.memory_space<vmem>>, vector<1x1x1x16xf32>,
        %get3A_598 = vector.shape_cast %get3A_597 : vector<1x1x1x16xf32> to vector<16xf32>
        %mul3A_599 = arith.constant 8.000000e+00 : f32
        %mul3A_600 = vector.broadcast %mul3A_599 : f32 to vector<16xf32>
        %mul3A_601 = arith.mulf %get3A_598, %mul3A_600 : vector<16xf32>
        %swap3A_602 = arith.constant 0 : i32
        %swap3A_603 = arith.index_cast %rem3A_89 : i32 to index
        %swap3A_604 = arith.index_cast %swap3A_602 : i32 to index
        %swap3A_605 = arith.index_cast %scan3A_573 : i32 to index
        %swap3A_606 = arith.constant 16 : index
        %swap3A_607 = tpu.vector_load %arg6[%swap3A_603, %swap3A_604, %swap3A_605, %swap3A_606] {strides = array<i32>} : memref<2x2x200x64xf32, #tpu.memory_space<vmem>>, vector<1x1x1x16xf32>,
        %swap3A_608 = vector.shape_cast %swap3A_607 : vector<1x1x1x16xf32> to vector<16xf32>
        %swap3A_609 = vector.shape_cast %mul3A_601 : vector<16xf32> to vector<1x1x1x16xf32>
        tpu.vector_store %arg6[%swap3A_603, %swap3A_604, %swap3A_605, %swap3A_606], %swap3A_609 {strides = array<i32>} : memref<2x2x200x64xf32, #tpu.memory_space<vmem>>, vector<1x1x1x16xf32>,
        %get3A_610 = arith.constant 0 : i32
        %get3A_611 = arith.index_cast %rem3A_89 : i32 to index
        %get3A_612 = arith.index_cast %get3A_610 : i32 to index
        %get3A_613 = arith.index_cast %scan3A_573 : i32 to index
        %get3A_614 = arith.constant 32 : index
        %get3A_615 = tpu.vector_load %arg6[%get3A_611, %get3A_612, %get3A_613, %get3A_614] {strides = array<i32>} : memref<2x2x200x64xf32, #tpu.memory_space<vmem>>, vector<1x1x1x16xf32>,
        %get3A_616 = vector.shape_cast %get3A_615 : vector<1x1x1x16xf32> to vector<16xf32>
        %mul3A_617 = arith.constant 8.000000e+00 : f32
        %mul3A_618 = vector.broadcast %mul3A_617 : f32 to vector<16xf32>
        %mul3A_619 = arith.mulf %get3A_616, %mul3A_618 : vector<16xf32>
        %swap3A_620 = arith.constant 0 : i32
        %swap3A_621 = arith.index_cast %rem3A_89 : i32 to index
        %swap3A_622 = arith.index_cast %swap3A_620 : i32 to index
        %swap3A_623 = arith.index_cast %scan3A_573 : i32 to index
        %swap3A_624 = arith.constant 32 : index
        %swap3A_625 = tpu.vector_load %arg6[%swap3A_621, %swap3A_622, %swap3A_623, %swap3A_624] {strides = array<i32>} : memref<2x2x200x64xf32, #tpu.memory_space<vmem>>, vector<1x1x1x16xf32>,
        %swap3A_626 = vector.shape_cast %swap3A_625 : vector<1x1x1x16xf32> to vector<16xf32>
        %swap3A_627 = vector.shape_cast %mul3A_619 : vector<16xf32> to vector<1x1x1x16xf32>
        tpu.vector_store %arg6[%swap3A_621, %swap3A_622, %swap3A_623, %swap3A_624], %swap3A_627 {strides = array<i32>} : memref<2x2x200x64xf32, #tpu.memory_space<vmem>>, vector<1x1x1x16xf32>,
        %get3A_628 = arith.constant 0 : i32
        %get3A_629 = arith.index_cast %rem3A_89 : i32 to index
        %get3A_630 = arith.index_cast %get3A_628 : i32 to index
        %get3A_631 = arith.index_cast %scan3A_573 : i32 to index
        %get3A_632 = arith.constant 48 : index
        %get3A_633 = tpu.vector_load %arg6[%get3A_629, %get3A_630, %get3A_631, %get3A_632] {strides = array<i32>} : memref<2x2x200x64xf32, #tpu.memory_space<vmem>>, vector<1x1x1x16xf32>,
        %get3A_634 = vector.shape_cast %get3A_633 : vector<1x1x1x16xf32> to vector<16xf32>
        %mul3A_635 = arith.constant 8.000000e+00 : f32
        %mul3A_636 = vector.broadcast %mul3A_635 : f32 to vector<16xf32>
        %mul3A_637 = arith.mulf %get3A_634, %mul3A_636 : vector<16xf32>
        %swap3A_638 = arith.constant 0 : i32
        %swap3A_639 = arith.index_cast %rem3A_89 : i32 to index
        %swap3A_640 = arith.index_cast %swap3A_638 : i32 to index
        %swap3A_641 = arith.index_cast %scan3A_573 : i32 to index
        %swap3A_642 = arith.constant 48 : index
        %swap3A_643 = tpu.vector_load %arg6[%swap3A_639, %swap3A_640, %swap3A_641, %swap3A_642] {strides = array<i32>} : memref<2x2x200x64xf32, #tpu.memory_space<vmem>>, vector<1x1x1x16xf32>,
        %swap3A_644 = vector.shape_cast %swap3A_643 : vector<1x1x1x16xf32> to vector<16xf32>
        %swap3A_645 = vector.shape_cast %mul3A_637 : vector<16xf32> to vector<1x1x1x16xf32>
        tpu.vector_store %arg6[%swap3A_639, %swap3A_640, %swap3A_641, %swap3A_642], %swap3A_645 {strides = array<i32>} : memref<2x2x200x64xf32, #tpu.memory_space<vmem>>, vector<1x1x1x16xf32>,
        %get3A_646 = arith.constant 1 : i32
        %get3A_647 = arith.index_cast %rem3A_89 : i32 to index
        %get3A_648 = arith.index_cast %get3A_646 : i32 to index
        %get3A_649 = arith.index_cast %scan3A_573 : i32 to index
        %get3A_650 = arith.constant 0 : index
        %get3A_651 = tpu.vector_load %arg6[%get3A_647, %get3A_648, %get3A_649, %get3A_650] {strides = array<i32>} : memref<2x2x200x64xf32, #tpu.memory_space<vmem>>, vector<1x1x1x16xf32>,
        %get3A_652 = vector.shape_cast %get3A_651 : vector<1x1x1x16xf32> to vector<16xf32>
        %mul3A_653 = arith.constant 8.000000e+00 : f32
        %mul3A_654 = vector.broadcast %mul3A_653 : f32 to vector<16xf32>
        %mul3A_655 = arith.mulf %get3A_652, %mul3A_654 : vector<16xf32>
        %swap3A_656 = arith.constant 1 : i32
        %swap3A_657 = arith.index_cast %rem3A_89 : i32 to index
        %swap3A_658 = arith.index_cast %swap3A_656 : i32 to index
        %swap3A_659 = arith.index_cast %scan3A_573 : i32 to index
        %swap3A_660 = arith.constant 0 : index
        %swap3A_661 = tpu.vector_load %arg6[%swap3A_657, %swap3A_658, %swap3A_659, %swap3A_660] {strides = array<i32>} : memref<2x2x200x64xf32, #tpu.memory_space<vmem>>, vector<1x1x1x16xf32>,
        %swap3A_662 = vector.shape_cast %swap3A_661 : vector<1x1x1x16xf32> to vector<16xf32>
        %swap3A_663 = vector.shape_cast %mul3A_655 : vector<16xf32> to vector<1x1x1x16xf32>
        tpu.vector_store %arg6[%swap3A_657, %swap3A_658, %swap3A_659, %swap3A_660], %swap3A_663 {strides = array<i32>} : memref<2x2x200x64xf32, #tpu.memory_space<vmem>>, vector<1x1x1x16xf32>,
        %get3A_664 = arith.constant 1 : i32
        %get3A_665 = arith.index_cast %rem3A_89 : i32 to index
        %get3A_666 = arith.index_cast %get3A_664 : i32 to index
        %get3A_667 = arith.index_cast %scan3A_573 : i32 to index
        %get3A_668 = arith.constant 16 : index
        %get3A_669 = tpu.vector_load %arg6[%get3A_665, %get3A_666, %get3A_667, %get3A_668] {strides = array<i32>} : memref<2x2x200x64xf32, #tpu.memory_space<vmem>>, vector<1x1x1x16xf32>,
        %get3A_670 = vector.shape_cast %get3A_669 : vector<1x1x1x16xf32> to vector<16xf32>
        %mul3A_671 = arith.constant 8.000000e+00 : f32
        %mul3A_672 = vector.broadcast %mul3A_671 : f32 to vector<16xf32>
        %mul3A_673 = arith.mulf %get3A_670, %mul3A_672 : vector<16xf32>
        %swap3A_674 = arith.constant 1 : i32
        %swap3A_675 = arith.index_cast %rem3A_89 : i32 to index
        %swap3A_676 = arith.index_cast %swap3A_674 : i32 to index
        %swap3A_677 = arith.index_cast %scan3A_573 : i32 to index
        %swap3A_678 = arith.constant 16 : index
        %swap3A_679 = tpu.vector_load %arg6[%swap3A_675, %swap3A_676, %swap3A_677, %swap3A_678] {strides = array<i32>} : memref<2x2x200x64xf32, #tpu.memory_space<vmem>>, vector<1x1x1x16xf32>,
        %swap3A_680 = vector.shape_cast %swap3A_679 : vector<1x1x1x16xf32> to vector<16xf32>
        %swap3A_681 = vector.shape_cast %mul3A_673 : vector<16xf32> to vector<1x1x1x16xf32>
        tpu.vector_store %arg6[%swap3A_675, %swap3A_676, %swap3A_677, %swap3A_678], %swap3A_681 {strides = array<i32>} : memref<2x2x200x64xf32, #tpu.memory_space<vmem>>, vector<1x1x1x16xf32>,
        %get3A_682 = arith.constant 1 : i32
        %get3A_683 = arith.index_cast %rem3A_89 : i32 to index
        %get3A_684 = arith.index_cast %get3A_682 : i32 to index
        %get3A_685 = arith.index_cast %scan3A_573 : i32 to index
        %get3A_686 = arith.constant 32 : index
        %get3A_687 = tpu.vector_load %arg6[%get3A_683, %get3A_684, %get3A_685, %get3A_686] {strides = array<i32>} : memref<2x2x200x64xf32, #tpu.memory_space<vmem>>, vector<1x1x1x16xf32>,
        %get3A_688 = vector.shape_cast %get3A_687 : vector<1x1x1x16xf32> to vector<16xf32>
        %mul3A_689 = arith.constant 8.000000e+00 : f32
        %mul3A_690 = vector.broadcast %mul3A_689 : f32 to vector<16xf32>
        %mul3A_691 = arith.mulf %get3A_688, %mul3A_690 : vector<16xf32>
        %swap3A_692 = arith.constant 1 : i32
        %swap3A_693 = arith.index_cast %rem3A_89 : i32 to index
        %swap3A_694 = arith.index_cast %swap3A_692 : i32 to index
        %swap3A_695 = arith.index_cast %scan3A_573 : i32 to index
        %swap3A_696 = arith.constant 32 : index
        %swap3A_697 = tpu.vector_load %arg6[%swap3A_693, %swap3A_694, %swap3A_695, %swap3A_696] {strides = array<i32>} : memref<2x2x200x64xf32, #tpu.memory_space<vmem>>, vector<1x1x1x16xf32>,
        %swap3A_698 = vector.shape_cast %swap3A_697 : vector<1x1x1x16xf32> to vector<16xf32>
        %swap3A_699 = vector.shape_cast %mul3A_691 : vector<16xf32> to vector<1x1x1x16xf32>
        tpu.vector_store %arg6[%swap3A_693, %swap3A_694, %swap3A_695, %swap3A_696], %swap3A_699 {strides = array<i32>} : memref<2x2x200x64xf32, #tpu.memory_space<vmem>>, vector<1x1x1x16xf32>,
        %get3A_700 = arith.constant 1 : i32
        %get3A_701 = arith.index_cast %rem3A_89 : i32 to index
        %get3A_702 = arith.index_cast %get3A_700 : i32 to index
        %get3A_703 = arith.index_cast %scan3A_573 : i32 to index
        %get3A_704 = arith.constant 48 : index
        %get3A_705 = tpu.vector_load %arg6[%get3A_701, %get3A_702, %get3A_703, %get3A_704] {strides = array<i32>} : memref<2x2x200x64xf32, #tpu.memory_space<vmem>>, vector<1x1x1x16xf32>,
        %get3A_706 = vector.shape_cast %get3A_705 : vector<1x1x1x16xf32> to vector<16xf32>
        %mul3A_707 = arith.constant 8.000000e+00 : f32
        %mul3A_708 = vector.broadcast %mul3A_707 : f32 to vector<16xf32>
        %mul3A_709 = arith.mulf %get3A_706, %mul3A_708 : vector<16xf32>
        %swap3A_710 = arith.constant 1 : i32
        %swap3A_711 = arith.index_cast %rem3A_89 : i32 to index
        %swap3A_712 = arith.index_cast %swap3A_710 : i32 to index
        %swap3A_713 = arith.index_cast %scan3A_573 : i32 to index
        %swap3A_714 = arith.constant 48 : index
        %swap3A_715 = tpu.vector_load %arg6[%swap3A_711, %swap3A_712, %swap3A_713, %swap3A_714] {strides = array<i32>} : memref<2x2x200x64xf32, #tpu.memory_space<vmem>>, vector<1x1x1x16xf32>,
        %swap3A_716 = vector.shape_cast %swap3A_715 : vector<1x1x1x16xf32> to vector<16xf32>
        %swap3A_717 = vector.shape_cast %mul3A_709 : vector<16xf32> to vector<1x1x1x16xf32>
        tpu.vector_store %arg6[%swap3A_711, %swap3A_712, %swap3A_713, %swap3A_714], %swap3A_717 {strides = array<i32>} : memref<2x2x200x64xf32, #tpu.memory_space<vmem>>, vector<1x1x1x16xf32>,
      }
      %scan3A_115 = arith.constant 200 : i32
      %mul3A_116 = arith.constant 128 : i32
      %mul3A_117 = arith.muli %add3A, %mul3A_116 : i32
      %mul3A_118 = arith.constant 2 : i32
      %mul3A_119 = arith.muli %scan3A_88, %mul3A_118 : i32
      %add3A_120 = arith.addi %mul3A_117, %mul3A_119 : i32
      %dma_start3A_121 = arith.constant 0 : i32
      %dma_start3A_122 = arith.constant 0 : i32
      %dma_start3A_123 = arith.constant 0 : i32
      %dma_start3A_124 = tpu.memref_slice %arg6[%rem3A_89, %dma_start3A_121, %dma_start3A_122, %dma_start3A_123] : memref<2x2x200x64xf32, #tpu.memory_space<vmem>> -> memref<1x2x200x64xf32, #tpu.memory_space<vmem>>
      %dma_start3A_125 = tpu.memref_squeeze %dma_start3A_124 : memref<1x2x200x64xf32, #tpu.memory_space<vmem>> -> memref<2x200x64xf32, #tpu.memory_space<vmem>>
      %dma_start3A_126 = arith.constant 0 : i32
      %dma_start3A_127 = arith.constant 0 : i32
      %dma_start3A_128 = tpu.memref_slice %arg4[%add3A_120, %dma_start3A_126, %dma_start3A_127] : memref<4096x200x128xf32, #tpu.memory_space<hbm>> -> memref<2x200x64xf32, #tpu.memory_space<hbm>>
      %dma_start3A_129 = arith.constant 0 : i32
      %dma_start3A_130 = arith.constant 0 : i32
      %dma_start3A_131 = tpu.memref_slice %arg4[%add3A_120, %dma_start3A_129, %dma_start3A_130] : memref<4096x200x128xf32, #tpu.memory_space<hbm>> -> memref<2x200x64xf32, #tpu.memory_space<hbm>>
      %dma_start3A_132 = arith.constant 0 : i32
      %dma_start3A_133 = arith.constant 0 : i32
      %dma_start3A_134 = arith.constant 0 : i32
      %dma_start3A_135 = tpu.memref_slice %arg6[%rem3A_89, %dma_start3A_132, %dma_start3A_133, %dma_start3A_134] : memref<2x2x200x64xf32, #tpu.memory_space<vmem>> -> memref<1x2x200x64xf32, #tpu.memory_space<vmem>>
      %dma_start3A_136 = tpu.memref_squeeze %dma_start3A_135 : memref<1x2x200x64xf32, #tpu.memory_space<vmem>> -> memref<2x200x64xf32, #tpu.memory_space<vmem>>
      tpu.enqueue_dma source(%dma_start3A_136 : memref<2x200x64xf32, #tpu.memory_space<vmem>>) target(%dma_start3A_131 : memref<2x200x64xf32, #tpu.memory_space<hbm>>) target_semaphore(%arg8 : memref<!tpu.dma_semaphore, #tpu.memory_space<semaphore_mem>>)
    }
    %scan3A_50 = arith.constant 64 : i32
    %dma_wait3A = arith.constant 0 : i32
    %dma_wait3A_51 = arith.constant 0 : i32
    %dma_wait3A_52 = arith.constant 0 : i32
    %dma_wait3A_53 = arith.constant 0 : i32
    %dma_wait3A_54 = tpu.memref_slice %arg6[%dma_wait3A, %dma_wait3A_51, %dma_wait3A_52, %dma_wait3A_53] : memref<2x2x200x64xf32, #tpu.memory_space<vmem>> -> memref<1x2x200x64xf32, #tpu.memory_space<vmem>>
    %dma_wait3A_55 = tpu.memref_squeeze %dma_wait3A_54 : memref<1x2x200x64xf32, #tpu.memory_space<vmem>> -> memref<2x200x64xf32, #tpu.memory_space<vmem>>
    %dma_wait3A_56 = arith.constant 0 : i32
    %dma_wait3A_57 = arith.constant 0 : i32
    %dma_wait3A_58 = arith.constant 0 : i32
    %dma_wait3A_59 = tpu.memref_slice %arg4[%dma_wait3A_56, %dma_wait3A_57, %dma_wait3A_58] : memref<4096x200x128xf32, #tpu.memory_space<hbm>> -> memref<2x200x64xf32, #tpu.memory_space<hbm>>
    %dma_wait3A_60 = arith.constant 0 : i32
    %dma_wait3A_61 = arith.constant 0 : i32
    %dma_wait3A_62 = arith.constant 0 : i32
    %dma_wait3A_63 = tpu.memref_slice %arg4[%dma_wait3A_60, %dma_wait3A_61, %dma_wait3A_62] : memref<4096x200x128xf32, #tpu.memory_space<hbm>> -> memref<2x200x64xf32, #tpu.memory_space<hbm>>
    %dma_wait3A_64 = arith.constant 0 : i32
    %dma_wait3A_65 = arith.constant 0 : i32
    %dma_wait3A_66 = arith.constant 0 : i32
    %dma_wait3A_67 = tpu.memref_slice %arg6[%dma_wait3A, %dma_wait3A_64, %dma_wait3A_65, %dma_wait3A_66] : memref<2x2x200x64xf32, #tpu.memory_space<vmem>> -> memref<1x2x200x64xf32, #tpu.memory_space<vmem>>
    %dma_wait3A_68 = tpu.memref_squeeze %dma_wait3A_67 : memref<1x2x200x64xf32, #tpu.memory_space<vmem>> -> memref<2x200x64xf32, #tpu.memory_space<vmem>>
    tpu.wait_dma2 semaphore(%arg8 : memref<!tpu.dma_semaphore, #tpu.memory_space<semaphore_mem>>) src(%dma_wait3A_68 : memref<2x200x64xf32, #tpu.memory_space<vmem>>) dst(%dma_wait3A_63 : memref<2x200x64xf32, #tpu.memory_space<hbm>>)
    %dma_wait3A_69 = arith.constant 0 : i32
    %dma_wait3A_70 = arith.constant 0 : i32
    %dma_wait3A_71 = arith.constant 0 : i32
    %dma_wait3A_72 = arith.constant 0 : i32
    %dma_wait3A_73 = tpu.memref_slice %arg6[%dma_wait3A_69, %dma_wait3A_70, %dma_wait3A_71, %dma_wait3A_72] : memref<2x2x200x64xf32, #tpu.memory_space<vmem>> -> memref<1x2x200x64xf32, #tpu.memory_space<vmem>>
    %dma_wait3A_74 = tpu.memref_squeeze %dma_wait3A_73 : memref<1x2x200x64xf32, #tpu.memory_space<vmem>> -> memref<2x200x64xf32, #tpu.memory_space<vmem>>
    %dma_wait3A_75 = arith.constant 0 : i32
    %dma_wait3A_76 = arith.constant 0 : i32
    %dma_wait3A_77 = arith.constant 0 : i32
    %dma_wait3A_78 = tpu.memref_slice %arg4[%dma_wait3A_75, %dma_wait3A_76, %dma_wait3A_77] : memref<4096x200x128xf32, #tpu.memory_space<hbm>> -> memref<2x200x64xf32, #tpu.memory_space<hbm>>
    %dma_wait3A_79 = arith.constant 0 : i32
    %dma_wait3A_80 = arith.constant 0 : i32
    %dma_wait3A_81 = arith.constant 0 : i32
    %dma_wait3A_82 = tpu.memref_slice %arg4[%dma_wait3A_79, %dma_wait3A_80, %dma_wait3A_81] : memref<4096x200x128xf32, #tpu.memory_space<hbm>> -> memref<2x200x64xf32, #tpu.memory_space<hbm>>
    %dma_wait3A_83 = arith.constant 0 : i32
    %dma_wait3A_84 = arith.constant 0 : i32
    %dma_wait3A_85 = arith.constant 0 : i32
    %dma_wait3A_86 = tpu.memref_slice %arg6[%dma_wait3A_69, %dma_wait3A_83, %dma_wait3A_84, %dma_wait3A_85] : memref<2x2x200x64xf32, #tpu.memory_space<vmem>> -> memref<1x2x200x64xf32, #tpu.memory_space<vmem>>
    %dma_wait3A_87 = tpu.memref_squeeze %dma_wait3A_86 : memref<1x2x200x64xf32, #tpu.memory_space<vmem>> -> memref<2x200x64xf32, #tpu.memory_space<vmem>>
    tpu.wait_dma2 semaphore(%arg8 : memref<!tpu.dma_semaphore, #tpu.memory_space<semaphore_mem>>) src(%dma_wait3A_87 : memref<2x200x64xf32, #tpu.memory_space<vmem>>) dst(%dma_wait3A_82 : memref<2x200x64xf32, #tpu.memory_space<hbm>>)
    return
  }
}

</mosaic_0001>

<sc_bundles>
// kernel: kernel.3.cloned.1.call-start
scs
__scs_entry_jumppad:
0x0: {  	(pc) =	sbr.rel $0x88, $3  }
0x1: {  	(tag) =	ssettag $0x0;
	lr =	simm.s32 $0x1  }
0x2: {  	[smem:$0x3F9F] =	sst lr;
	_ =	strace $0xD0000000  }
0x3: {  	_ = 	snop  }
0x4: {  	_ = 	snop  }
0x5: {  	_ = 	snop  }
0x6: {  	_ = 	snop  }
0x7: {  	_ = 	snop  }
__scs_overlays_trampoline_lowered:
0x8: {  	[smem:$0x3FAE] =	sst s0  }
0x9: {  	[smem:$0x3FAF] =	sst s1  }
0xa: {  	[smem:$0x3FB0] =	sst s2  }
0xb: {  	[smem:$0x3FB1] =	sst s3  }
0xc: {  	[smem:$0x3FB2] =	sst s4  }
0xd: {  	[smem:$0x3FB3] =	sst s5  }
0xe: {  	[smem:$0x3FB4] =	sst s6  }
0xf: {  	[smem:$0x3FB5] =	sst s7  }
0x10: {  	[smem:$0x3FB6] =	sst s8  }
0x11: {  	[smem:$0x3FB7] =	sst s9;
	s0 =	simm.s32 @!p0 $0x0  }
0x12: {  	s1 =	sld [smem:$0x3F9D];
	s0 =	simm.s32 @p0 $0x1  }
0x13: {  	[smem:$0x3FB8] =	sst s0;
	s0 =	simm.s32 @!p1 $0x0  }
0x14: {  	s2 =	sld [smem:$0x3F9C];
	s0 =	simm.s32 @p1 $0x1  }
0x15: {  	[smem:$0x3FB9] =	sst s0;
	s0 =	simm.s32 @!p2 $0x0  }
0x16: {  	s3 =	sld [smem:$0x3FDB];
	s0 =	simm.s32 @p2 $0x1  }
0x17: {  	s4 =	simm.s32 $0x1BF5;
	[smem:$0x3FBB] =	sst s0  }
0x18: {  	s0 =	sld [smem:$0x3F9E];
	_ =	swait.ge [sflag:s4], $0x0  }
0x19: {  	s7 =	sld [smem:$0x3F9F]  }
0x1a: {  	s8 =	sadd.s32 $0xFFFFE003, lr  }
0x1b: {  	s9 =	sadd.s32 $0xFFFFFEF7, lr;
	s5 =	simm.s32 $0xFFFFFFFF;
	p2 =	slt.u32 s8, $0xFFFFF086  }
0x1c: {  	p1 =	slt.u32 s9, $0xF7A;
	s5 =	simm.s32 @!p2 $0x0  }
0x1d: {  	s5 =	simm.s32 @p1 $0x1;
	p0 =	seq.s32 s7, s2  }
0x1e: {  	s7 =	smul.u32 @!p0 $0xF7A, s2;
	p2 =	seq.s32 @!p0 s5, $0x0  }
0x1f: {  	s9 =	smul.u32 $0xF7A, s1;
	s8 =	simm.s32 @!p0 $0x1BF5;
	p2 =	por !p2, p0  }
0x20: {  	[sflag:s8] =	ssyncset.s32 @!p0 $0xFFFFF086;
	s6 =	sadd.s32 @!p0 s3, s7;
	s7 =	simm.s32 @!p0 $0x108  }
0x21: {  	s3 =	sadd.s32 s3, s9;
	s6 =	sadd.s32 @!p0 $0x88, s6;
	s7 =	simm.s32 @p2 $0x1082  }
0x22: {  	[simem:s7], [sflag:s8] =	dma.local @!p0 [hbm:s6], $0xF7A  }
0x23: {  	s9 =	sor.u32 $0xD0000000, s2;
	s6 =	simm.s32 $0x108;
	_ =	swait.ge @!p0 [sflag:s8], $0x0  }
0x24: {  	s3 =	sadd.s32 $0x88, s3;
	s6 =	simm.s32 @!p1 $0x1082;
	[sflag:s4] =	ssyncset.s32 $0xFFFFF086  }
0x25: {  	[simem:s6], [sflag:s4] =	dma.local [hbm:s3], $0xF7A  }
0x26: {  	[smem:$0x3F9F] =	sst s1;
	(tag) =	ssettag s2;
	_ =	strace s9  }
0x27: {  	s1 =	sld [smem:$0x3FAF]  }
0x28: {  	s2 =	sld [smem:$0x3FB0]  }
0x29: {  	s4 =	sld [smem:$0x3FB2]  }
0x2a: {  	p0 =	seq.s32 s5, $0x0;
	s5 =	sld [smem:$0x3FB3]  }
0x2b: {  	s6 =	sld [smem:$0x3FB4]  }
0x2c: {  	s7 =	sld [smem:$0x3FB5]  }
0x2d: {  	s3 =	simm.s32 $0x108;
	s8 =	sld [smem:$0x3FB6]  }
0x2e: {  	s3 =	simm.s32 @!p0 $0x1082;
	s9 =	sld [smem:$0x3FB7]  }
0x2f: {  	lr =	sadd.s32 s0, s3;
	s0 =	sld [smem:$0x3FAE]  }
0x30: {  	s3 =	sld [smem:$0x3FB1]  }
0x31: {  	[smem:$0x3FBA] =	sst s10  }
0x32: {  	s10 =	sld [smem:$0x3FB8];
	_ =	sdelay $0x3  }
0x33: {  	p0 =	seq.s32 s10, $0x1;
	s10 =	sld [smem:$0x3FBA];
	_ =	sdelay $0x3  }
0x34: {  	[smem:$0x3FBA] =	sst s10  }
0x35: {  	s10 =	sld [smem:$0x3FB9];
	_ =	sdelay $0x3  }
0x36: {  	p1 =	seq.s32 s10, $0x1;
	s10 =	sld [smem:$0x3FBA];
	_ =	sdelay $0x3  }
0x37: {  	[smem:$0x3FBA] =	sst s10  }
0x38: {  	s10 =	sld [smem:$0x3FBB]  }
0x39: {  	_ = 	snop;
	(pc) =	sbr.ind lr, $3  }
0x3a: {  	_ = 	snop  }
0x3b: {  	_ = 	snop  }
0x3c: {  	p2 =	seq.s32 s10, $0x1;
	s10 =	sld [smem:$0x3FBA]  }
0x3d: {  	_ =	shalt  }
0x3e: {  	_ =	shalt  }
0x3f: {  	_ =	shalt  }
0x40: {  	_ =	shalt  }
0x41: {  	_ =	shalt  }
0x42: {  	_ =	shalt  }
0x43: {  	_ =	shalt  }
0x44: {  	_ =	shalt  }
0x45: {  	_ =	shalt  }
0x46: {  	_ =	shalt  }
0x47: {  	_ =	shalt  }
0x48: {  	_ =	shalt  }
0x49: {  	_ =	shalt  }
0x4a: {  	_ =	shalt  }
0x4b: {  	_ =	shalt  }
0x4c: {  	_ =	shalt  }
0x4d: {  	_ =	shalt  }
0x4e: {  	_ =	shalt  }
0x4f: {  	_ =	shalt  }
0x50: {  	_ =	shalt  }
0x51: {  	_ =	shalt  }
0x52: {  	_ =	shalt  }
0x53: {  	_ =	shalt  }
0x54: {  	_ =	shalt  }
0x55: {  	_ =	shalt  }
0x56: {  	_ =	shalt  }
0x57: {  	_ =	shalt  }
0x58: {  	_ =	shalt  }
0x59: {  	_ =	shalt  }
0x5a: {  	_ =	shalt  }
0x5b: {  	_ =	shalt  }
0x5c: {  	_ =	shalt  }
0x5d: {  	_ =	shalt  }
0x5e: {  	_ =	shalt  }
0x5f: {  	_ =	shalt  }
0x60: {  	_ =	shalt  }
0x61: {  	_ =	shalt  }
0x62: {  	_ =	shalt  }
0x63: {  	_ =	shalt  }
0x64: {  	_ =	shalt  }
0x65: {  	_ =	shalt  }
0x66: {  	_ =	shalt  }
0x67: {  	_ =	shalt  }
0x68: {  	_ =	shalt  }
0x69: {  	_ =	shalt  }
0x6a: {  	_ =	shalt  }
0x6b: {  	_ =	shalt  }
0x6c: {  	_ =	shalt  }
0x6d: {  	_ =	shalt  }
0x6e: {  	_ =	shalt  }
0x6f: {  	_ =	shalt  }
0x70: {  	_ =	shalt  }
0x71: {  	_ =	shalt  }
0x72: {  	_ =	shalt  }
0x73: {  	_ =	shalt  }
0x74: {  	_ =	shalt  }
0x75: {  	_ =	shalt  }
0x76: {  	_ =	shalt  }
0x77: {  	_ =	shalt  }
0x78: {  	_ =	shalt  }
0x79: {  	_ =	shalt  }
0x7a: {  	_ =	shalt  }
0x7b: {  	_ =	shalt  }
0x7c: {  	_ =	shalt  }
0x7d: {  	_ =	shalt  }
0x7e: {  	_ =	shalt  }
0x7f: {  	_ =	shalt  }
0x80: {  	_ =	shalt  }
0x81: {  	_ =	shalt  }
0x82: {  	_ =	shalt  }
0x83: {  	_ =	shalt  }
0x84: {  	_ =	shalt  }
0x85: {  	_ =	shalt  }
0x86: {  	_ =	shalt  }
0x87: {  	_ =	shalt  }
.Lfunc_end0:
.L_simem_size_0:
called_computation.1_lowered:
.L_overlay_start_0:
0x88: {  	s2 =	sld [smem:$0x3FD9]  }
0x89: {  	s3 =	sld [smem:$0x3FFE];
	_ =	sdelay $0x1  }
0x8a: {  	s1 =	srdreg.scid  }
0x8b: {  	s0 =	sand.u32 $0x1, s1  }
0x8c: {  	s17 =	sshll.u32 s0, $0xA;
	s2 =	sadd.s32 s3, s2  }
0x8d: {  	s2 =	sadd.s32 s2, s17  }
0x8e: {  	[smem:$0x3FC6] =	sst s2  }
0x8f: {  	_ = 	snop  }
0x90: {  	s2 =	sld [smem:$0x3FD0];
	(tm) =	ssettm $0x1  }
0x91: {  	s18 =	sld [smem:$0x3FFB];
	_ =	sdelay $0x3  }
0x92: {  	_ =	strace s18  }
0x93: {  	s3 =	sld [smem:$0x3FFC];
	_ =	sdelay $0x3  }
0x94: {  	_ =	strace s3  }
0x95: {  	s3 =	sld [smem:$0x3FFD];
	_ =	sdelay $0x3  }
0x96: {  	_ =	strace s3  }
0x97: {  	_ =	strace $0x8FFFFFFF  }
0x98: {  	s19 =	sld [smem:$0x3FDB];
	_ =	sdelay $0x1  }
0x99: {  	s4 =	simm.s32 $_scs_section_size  }
0x9a: {  	s5 =	simm.s32 $_size__tile_overlayer_lowered;
	s6 =	simm.s32 $_tile_overlayer_lowered  }
0x9b: {  	s22 =	simm.s32 $0x1BFF;
	s21 =	sshll.u32 s6, $0x1;
	s3 =	sadd.s32 s4, s19  }
0x9c: {  	s7 =	simm.s32 $0x0;
	s20 =	sshll.u32 s5, $0x1;
	s5 =	sadd.s32 s21, s3  }
0x9d: {  	[timem:s7], [sflag:s22] =	dma.local [hbm:s5], s20  }
0x9e: {  	_ =	swait.ge [sflag:s22], s20  }
0x9f: {  	s4 =	ssub.s32 $0x0, s20;
	[sflag:s22] =	ssyncset.done $0x0  }
0xa0: {  	[sflag:s22] =	ssyncadd.s32 s4;
	_ =	sdelay $0x1  }
0xa1: {  	s23 =	simm.s32 $0x1B8B  }
0xa2: {  	_ =	swait.ge [sflag:s23], $0x1  }
0xa3: {  	[sflag:s23] =	ssyncset.done $0x0  }
0xa4: {  	s25 =	simm.s32 $0x1B8E;
	s24 =	sld [smem:$0x3FFE];
	[sflag:s23] =	ssyncadd.s32 $0xFFFFFFFF  }
0xa5: {  	s26 =	simm.s32 $execute0_lowered;
	[smem:$0x3FD2] =	sst s25  }
0xa6: {  	s5 =	sshll.u32 s26, $0x1;
	_ =	strace $0x80000046;
	[dreg:$0x1] =	wrdreg $0xFFFFFFFF  }
0xa7: {  	s28 =	simm.s32 $_size_execute0_lowered;
	s3 =	sadd.s32 s3, s5;
	[dreg:$0x0] =	wrdreg $0x0  }
0xa8: {  	s5 =	sshll.u32 s28, $0x1;
	[dreg:$0x2] =	wrdreg s3  }
0xa9: {  	[dreg:$0x3] =	wrdreg s5  }
0xaa: {  	[dreg:$0x4] =	wrdreg $0xC0  }
0xab: {  	_ =	task [dreg:s7], $0x5FFFF  }
0xac: {  	[dreg:$0x1] =	wrdreg $0xFFFFFFFF  }
0xad: {  	[dreg:$0x0] =	wrdreg $0x60  }
0xae: {  	[dreg:$0x2] =	wrdreg s2  }
0xaf: {  	[dreg:$0x3] =	wrdreg s24  }
0xb0: {  	[dreg:$0x4] =	wrdreg $0x9  }
0xb1: {  	_ =	task.clear_ibuf [dreg:s7], $0x5FFFF;
	_ =	strace $0x90000046  }
0xb2: {  	s29 =	simm.s32 $0x9;
	_ =	strace $0x80000048  }
0xb3: {  	_ =	swait.ge [sflag:s29], $0x1  }
0xb4: {  	[sflag:s29] =	ssyncadd.s32 $0xFFFFFFFF  }
0xb5: {  	_ =	strace $0x90000048  }
0xb6: {  	_ =	sfence  }
0xb7: {  	s30 =	sld [smem:$0x0];
	_ =	sdelay $0x2  }
0xb8: {  	s31 =	sshll.u32 s1, $0xD;
	s1 =	sshrl.u32 s1, $0x2  }
0xb9: {  	s3 =	sand.u32 $0x4000, s31;
	s1 =	sadd.s32 s1, s30  }
0xba: {  	s0 =	sor.u32 s3, s0;
	s1 =	sshll.u32 s1, $0x11  }
0xbb: {  	s0 =	sor.u32 s1, s0  }
0xbc: {  	s0 =	sadd.s32 $0x8F2B, s0  }
0xbd: {  	[sflag:s0] =	ssyncadd.remote.s32 $0x1  }
0xbe: {  	_ =	sfence.sel $0xFFFF  }
0xbf: {  	[dreg:$0x0] =	wrdreg $0xFFFFFFFF;
	(pc) =	sbr.abs _section_cstart, $3  }
0xc0: {  	[dreg:$0x1] =	wrdreg $0xFFFFFFFF  }
0xc1: {  	_ =	task.clear_ibuf [dreg:s7], $0x2FFFF;
	_ =	strace $0x9FFFFFFF  }
0xc2: {  	(tm) =	ssettm $0x7FFFFFFF  }
0xc3: {  	_ =	shalt  }
tec
execute0_lowered:
.L_overlay_start_1:
0x0: {  	(tag) =	ssettag $0x1  }
0x1: {  	s5 =	rddreg [dreg:$0x0]  }
0x2: {  	s1 =	srdreg.scid;
	s0 =	stileid.u32  }
0x3: {  	s4 =	rddreg [dreg:$0x1];
	s2 =	simm.s32 $0x0;
	s10 =	simm.s32 $0x6400  }
0x4: {  	s11 =	simm.s32 $0x48;
	s12 =	simm.s32 $0x8400;
	s13 =	simm.s32 $0xC8  }
0x5: {  	s14 =	simm.s32 $0x9600;
	s15 =	simm.s32 $0x148;
	s16 =	simm.s32 $0xB600  }
0x6: {  	s17 =	simm.s32 $0x1;
	s18 =	simm.s32 $0x40;
	s19 =	simm.s32 $0x2  }
0x7: {  	s3 =	sand.u32 $0x1, s1;
	s6 =	sshll.u32 s0, $0x1;
	s1 =	rddreg [dreg:$0x2]  }
0x8: {  	s20 =	simm.s32 $0x0;
	[smem:$0x7FF] =	sst s2;
	s6 =	sor.u32 s3, s6  }
0x9: {  	s7 =	ssub.s32 $0x2, s3;
	_ =	strace $0x80000047;
	s3 =	sadd.s32 $0xF42E00, s4  }
0xa: {  	s4 =	sadd.s32 $0xA00, s4;
	s8 =	smul.u32 $0xC80, s6;
	s9 =	sshrl.u32 s7, $0x1  }
0xb: {  	s6 =	sshll.u32 s6, $0x7;
	s7 =	ssub.s32 s7, s9;
	s9 =	simm.s32 $0x80  }
0xc: {  	s5 =	sadd.s32 s5, s8;
	s7 =	smax.u32 s7, $0x1;
	s8 =	simm.s32 $0x3  }
.LBB2_1:
0xd: {  	[tilespmem:s2], [sflag:$0x3] =	stream.linear.gather [hbm4b:s5+s2], $0x6400, $0x38;
	[tilespmem:$0x12C00] =	vst v63  }
0xe: {  	_ =	swait.ge [sflag:s8], $0x6400  }
0xf: {  	[sflag:s8] =	ssyncset.done $0x0  }
0x10: {  	[sflag:s8] =	ssyncadd.s32 $0xFFFF9C00  }
0x11: {  	[tilespmem:s10], [sflag:$0x1] =	stream.indirect.gather [hbm4b:s3+s9], $0x40, s2, s9, $0xb8;
	[tilespmem:$0x12C00] =	vst v63  }
0x12: {  	_ = 	snop  }
0x13: {  	[tilespmem:s12], [sflag:$0x1] =	stream.indirect.gather [hbm4b:s3+s11], $0x40, s9, s11, $0xb8;
	[tilespmem:$0x12C00] =	vst v63  }
0x14: {  	_ = 	snop  }
0x15: {  	[tilespmem:s14], [sflag:$0x1] =	stream.indirect.gather [hbm4b:s3+s9], $0x40, s13, s9, $0xb8;
	[tilespmem:$0x12C00] =	vst v63  }
0x16: {  	p0 =	por $0x0, $0x0;
	s22 =	simm.s32 $0x0  }
0x17: {  	[tilespmem:s16], [sflag:$0x1] =	stream.indirect.gather [hbm4b:s3+s11], $0x40, s15, s11, $0xb8;
	[tilespmem:$0x12C00] =	vst v63  }
.LBB2_2:
0x18: {  	p1 =	seq.s32 s22, $0x0  }
.Ltmp0:
0x19: {  	_ = 	snop;
	(pc) =	sbr.rel @p1 .LBB2_5-.Ltmp0, $2  }
0x1a: {  	_ =	sdelay $0x2  }
0x1b: {  	s24 =	sand.u32 $0x1, s22;
	s21 =	sadd.s32 $0x1, s22  }
0x1c: {  	p1 =	seq.s32 s22, $0x3F  }
.Ltmp1:
0x1d: {  	_ = 	snop;
	(pc) =	sbr.rel @p1 .LBB2_6-.Ltmp1, $1  }
0x1e: {  	_ =	sdelay $0x3  }
0x1f: {  	_ =	swait.ge [sflag:s19], $0x6400  }
0x20: {  	[sflag:s19] =	ssyncset.done $0x0  }
0x21: {  	[sflag:s19] =	ssyncadd.s32 $0xFFFF9C00  }
.LBB2_5:
0x22: {  	s23 =	sxor.u32 $0x1, s24  }
0x23: {  	s23 =	smul.u32 $0x19000, s23  }
0x24: {  	s25 =	smul.u32 $0x640, s21  }
0x25: {  	s23 =	sshrl.u32 s23, $0x2  }
0x26: {  	s25 =	sshra.s32 s25, $0x2;
	s26 =	sadd.s32 $0x6400, s23  }
0x27: {  	[tilespmem:s26], [sflag:$0x1] =	stream.indirect.gather [hbm4b:s3+s9], $0x40, s25, s9, $0xb8;
	[tilespmem:$0x12C00] =	vst v63  }
0x28: {  	s28 =	sadd.s32 $0x80, s25;
	s29 =	sadd.s32 $0x8400, s23  }
0x29: {  	[tilespmem:s29], [sflag:$0x1] =	stream.indirect.gather [hbm4b:s3+s11], $0x40, s28, s11, $0xb8;
	[tilespmem:$0x12C00] =	vst v63  }
0x2a: {  	s31 =	sadd.s32 $0xC8, s25;
	s30 =	sadd.s32 $0x9600, s23  }
0x2b: {  	[tilespmem:s30], [sflag:$0x1] =	stream.indirect.gather [hbm4b:s3+s9], $0x40, s31, s9, $0xb8;
	[tilespmem:$0x12C00] =	vst v63  }
0x2c: {  	s23 =	sadd.s32 $0xB600, s23;
	s25 =	sadd.s32 $0x148, s25  }
0x2d: {  	[tilespmem:s23], [sflag:$0x1] =	stream.indirect.gather [hbm4b:s3+s11], $0x40, s25, s11, $0xb8;
	[tilespmem:$0x12C00] =	vst v63  }
.LBB2_6:
0x2e: {  	s23 =	simm.s32 $0x1  }
0x2f: {  	s23 =	simm.s32 @!p0 $0x0  }
0x30: {  	s23 =	smul.u32 $0x19000, s23  }
0x31: {  	_ =	swait.ge [sflag:s17], $0x6400  }
0x32: {  	[sflag:s17] =	ssyncset.done $0x0;
	s23 =	sshrl.u32 s23, $0x2  }
0x33: {  	[sflag:s17] =	ssyncadd.s32 $0xFFFF9C00;
	s23 =	sadd.s32 $0x96F0, s23  }
0x34: {  	v0 =	vld [tilespmem:s23+$0xFFFFCD10]  }
0x35: {  	v1 =	vld [tilespmem:s23+$0xFFFFCD20]  }
0x36: {  	v2 =	vld [tilespmem:s23+$0xFFFFCD30]  }
0x37: {  	v3 =	vld [tilespmem:s23+$0xFFFFCD40]  }
0x38: {  	v6 =	vld [tilespmem:s23+$0xFFFFFF40]  }
0x39: {  	v4 =	vld [tilespmem:s23+$0xFFFFFF10];
	v0 =	vmul.f32 $8.000000000e+00, v0  }
0x3a: {  	v5 =	vld [tilespmem:s23+$0xFFFFFF20];
	v1 =	vmul.f32 $8.000000000e+00, v1  }
0x3b: {  	v2 =	vmul.f32 $8.000000000e+00, v2;
	[tilespmem:s23+$0xFFFFCD10] =	vst v0;
	v0 =	vld [tilespmem:s23+$0xFFFFFF30]  }
0x3c: {  	v3 =	vmul.f32 $8.000000000e+00, v3;
	[tilespmem:s23+$0xFFFFCD20] =	vst v1  }
0x3d: {  	v6 =	vmul.f32 $8.000000000e+00, v6;
	v1 =	vld [tilespmem:s23+$0xFFFFCD50];
	[tilespmem:s23+$0xFFFFCD30] =	vst v2  }
0x3e: {  	v2 =	vmul.f32 $8.000000000e+00, v4;
	v4 =	vld [tilespmem:s23+$0xFFFFCD60];
	[tilespmem:s23+$0xFFFFCD40] =	vst v3  }
0x3f: {  	v3 =	vmul.f32 $8.000000000e+00, v5;
	v5 =	vld [tilespmem:s23+$0xFFFFCD80];
	[tilespmem:s23+$0xFFFFFF40] =	vst v6  }
0x40: {  	[tilespmem:s23+$0xFFFFFF10] =	vst v2;
	v2 =	vld [tilespmem:s23+$0xFFFFCD70];
	v0 =	vmul.f32 $8.000000000e+00, v0  }
0x41: {  	v6 =	vld [tilespmem:s23+$0xFFFFFF80];
	[tilespmem:s23+$0xFFFFFF20] =	vst v3  }
0x42: {  	v3 =	vld [tilespmem:s23+$0xFFFFFF50];
	[tilespmem:s23+$0xFFFFFF30] =	vst v0;
	v0 =	vmul.f32 $8.000000000e+00, v1  }
0x43: {  	v4 =	vmul.f32 $8.000000000e+00, v4;
	v1 =	vld [tilespmem:s23+$0xFFFFFF60]  }
0x44: {  	v5 =	vmul.f32 $8.000000000e+00, v5;
	[tilespmem:s23+$0xFFFFCD50] =	vst v0;
	v0 =	vld [tilespmem:s23+$0xFFFFFF70]  }
0x45: {  	v2 =	vmul.f32 $8.000000000e+00, v2;
	[tilespmem:s23+$0xFFFFCD60] =	vst v4;
	v4 =	vld [tilespmem:s23+$0xFFFFCD90]  }
0x46: {  	v6 =	vmul.f32 $8.000000000e+00, v6;
	[tilespmem:s23+$0xFFFFCD80] =	vst v5;
	v5 =	vld [tilespmem:s23+$0xFFFFCDC0]  }
0x47: {  	[tilespmem:s23+$0xFFFFCD70] =	vst v2;
	v2 =	vmul.f32 $8.000000000e+00, v3;
	v3 =	vld [tilespmem:s23+$0xFFFFCDA0]  }
0x48: {  	[tilespmem:s23+$0xFFFFFF80] =	vst v6;
	v6 =	vld [tilespmem:s23+$0xFFFFFFC0];
	v1 =	vmul.f32 $8.000000000e+00, v1  }
0x49: {  	[tilespmem:s23+$0xFFFFFF50] =	vst v2;
	v2 =	vld [tilespmem:s23+$0xFFFFCDB0];
	v0 =	vmul.f32 $8.000000000e+00, v0  }
0x4a: {  	[tilespmem:s23+$0xFFFFFF60] =	vst v1;
	v1 =	vld [tilespmem:s23+$0xFFFFFF90]  }
0x4b: {  	[tilespmem:s23+$0xFFFFFF70] =	vst v0;
	v0 =	vmul.f32 $8.000000000e+00, v4;
	v4 =	vld [tilespmem:s23+$0xFFFFFFA0]  }
0x4c: {  	v3 =	vmul.f32 $8.000000000e+00, v3  }
0x4d: {  	v5 =	vmul.f32 $8.000000000e+00, v5;
	[tilespmem:s23+$0xFFFFCD90] =	vst v0;
	v0 =	vld [tilespmem:s23+$0xFFFFFFB0]  }
0x4e: {  	v2 =	vmul.f32 $8.000000000e+00, v2;
	[tilespmem:s23+$0xFFFFCDA0] =	vst v3;
	v3 =	vld [tilespmem:s23+$0xFFFFCDD0]  }
0x4f: {  	v7 =	vld [tilespmem:s23+$0xFFFFCDE0];
	[tilespmem:s23+$0xFFFFCDC0] =	vst v5;
	v1 =	vmul.f32 $8.000000000e+00, v1  }
0x50: {  	v6 =	vmul.f32 $8.000000000e+00, v6;
	[tilespmem:s23+$0xFFFFCDB0] =	vst v2;
	v2 =	vmul.f32 $8.000000000e+00, v4;
	v4 =	vld [tilespmem:s23+$0xFFFFCDF0]  }
0x51: {  	[tilespmem:s23+$0xFFFFFF90] =	vst v1;
	v1 =	vld [tilespmem:s23+$0xFFFFCE00]  }
0x52: {  	s24 =	smul.u32 $0x19000, s24;
	[tilespmem:s23+$0xFFFFFFC0] =	vst v6;
	v5 =	vmul.f32 $8.000000000e+00, v0;
	v0 =	vld [tilespmem:s23+$0xFFFFFFD0]  }
0x53: {  	v8 =	vmul.f32 $8.000000000e+00, v3;
	[tilespmem:s23+$0xFFFFFFA0] =	vst v2;
	v2 =	vld [tilespmem:s23+$0xFFFFFFE0]  }
0x54: {  	s24 =	sshrl.u32 s24, $0x2;
	v3 =	vld [tilespmem:s23+$0x0];
	[tilespmem:s23+$0xFFFFFFB0] =	vst v5;
	v5 =	vmul.f32 $8.000000000e+00, v7  }
0x55: {  	s25 =	simm.s32 $0x0;
	s24 =	sadd.s32 $0x6400, s24;
	s26 =	sadd.s32 $0x100, s23;
	[tilespmem:s23+$0xFFFFCDD0] =	vst v8;
	v6 =	vmul.f32 $8.000000000e+00, v4;
	v4 =	vld [tilespmem:s23+$0xFFFFFFF0]  }
.LBB2_7:
0x56: {  	v7 =	vld [tilespmem:s26+$0xFFFFCD10];
	[tilespmem:s23+$0xFFFFCDE0] =	vst v5;
	v1 =	vmul.f32 $8.000000000e+00, v1  }
0x57: {  	v5 =	vld [tilespmem:s26+$0xFFFFCD20];
	[tilespmem:s23+$0xFFFFCDF0] =	vst v6;
	v0 =	vmul.f32 $8.000000000e+00, v0  }
0x58: {  	v6 =	vld [tilespmem:s26+$0xFFFFCD30];
	[tilespmem:s23+$0xFFFFCE00] =	vst v1;
	v1 =	vmul.f32 $8.000000000e+00, v2  }
0x59: {  	v2 =	vld [tilespmem:s26+$0xFFFFCD40];
	[tilespmem:s23+$0xFFFFFFD0] =	vst v0;
	v0 =	vmul.f32 $8.000000000e+00, v3  }
0x5a: {  	v3 =	vld [tilespmem:s26+$0xFFFFFF10];
	[tilespmem:s23+$0xFFFFFFE0] =	vst v1;
	v1 =	vmul.f32 $8.000000000e+00, v4  }
0x5b: {  	v4 =	vmul.f32 $8.000000000e+00, v7;
	v7 =	vld [tilespmem:s26+$0xFFFFFF20];
	[tilespmem:s23+$0x0] =	vst v0  }
0x5c: {  	v0 =	vmul.f32 $8.000000000e+00, v5;
	v5 =	vld [tilespmem:s26+$0xFFFFFF30];
	[tilespmem:s23+$0xFFFFFFF0] =	vst v1;
	s23 =	smov.u32 s26  }
0x5d: {  	[tilespmem:s26+$0xFFFFCD10] =	vst v4;
	v1 =	vmul.f32 $8.000000000e+00, v6;
	v4 =	vld [tilespmem:s26+$0xFFFFFF40]  }
0x5e: {  	[tilespmem:s26+$0xFFFFCD20] =	vst v0;
	v0 =	vmul.f32 $8.000000000e+00, v2;
	v2 =	vld [tilespmem:s26+$0xFFFFCD50]  }
0x5f: {  	[tilespmem:s26+$0xFFFFCD30] =	vst v1;
	v1 =	vmul.f32 $8.000000000e+00, v3;
	v3 =	vld [tilespmem:s26+$0xFFFFCD60]  }
0x60: {  	[tilespmem:s26+$0xFFFFCD40] =	vst v0;
	v0 =	vmul.f32 $8.000000000e+00, v7;
	v6 =	vld [tilespmem:s26+$0xFFFFCD70]  }
0x61: {  	[tilespmem:s26+$0xFFFFFF10] =	vst v1;
	v1 =	vmul.f32 $8.000000000e+00, v5;
	v5 =	vld [tilespmem:s26+$0xFFFFCD80]  }
0x62: {  	[tilespmem:s26+$0xFFFFFF20] =	vst v0;
	v0 =	vmul.f32 $8.000000000e+00, v4;
	v4 =	vld [tilespmem:s26+$0xFFFFFF50]  }
0x63: {  	[tilespmem:s26+$0xFFFFFF30] =	vst v1;
	v1 =	vmul.f32 $8.000000000e+00, v2;
	v2 =	vld [tilespmem:s26+$0xFFFFFF60]  }
0x64: {  	[tilespmem:s26+$0xFFFFFF40] =	vst v0;
	v0 =	vmul.f32 $8.000000000e+00, v3;
	v3 =	vld [tilespmem:s26+$0xFFFFFF70]  }
0x65: {  	[tilespmem:s26+$0xFFFFCD50] =	vst v1;
	v1 =	vmul.f32 $8.000000000e+00, v6;
	v6 =	vld [tilespmem:s26+$0xFFFFFF80]  }
0x66: {  	[tilespmem:s26+$0xFFFFCD60] =	vst v0;
	v0 =	vmul.f32 $8.000000000e+00, v5;
	v5 =	vld [tilespmem:s26+$0xFFFFCD90]  }
0x67: {  	[tilespmem:s26+$0xFFFFCD70] =	vst v1;
	v1 =	vmul.f32 $8.000000000e+00, v4;
	v4 =	vld [tilespmem:s26+$0xFFFFCDA0]  }
0x68: {  	[tilespmem:s26+$0xFFFFCD80] =	vst v0;
	v0 =	vmul.f32 $8.000000000e+00, v2;
	v2 =	vld [tilespmem:s26+$0xFFFFCDB0]  }
0x69: {  	[tilespmem:s26+$0xFFFFFF50] =	vst v1;
	v1 =	vmul.f32 $8.000000000e+00, v3;
	v3 =	vld [tilespmem:s26+$0xFFFFCDC0]  }
0x6a: {  	[tilespmem:s26+$0xFFFFFF60] =	vst v0;
	v0 =	vmul.f32 $8.000000000e+00, v6;
	v6 =	vld [tilespmem:s26+$0xFFFFFF90]  }
0x6b: {  	[tilespmem:s26+$0xFFFFFF70] =	vst v1;
	v1 =	vmul.f32 $8.000000000e+00, v5;
	v5 =	vld [tilespmem:s26+$0xFFFFFFA0]  }
0x6c: {  	[tilespmem:s26+$0xFFFFFF80] =	vst v0;
	v0 =	vmul.f32 $8.000000000e+00, v4;
	v4 =	vld [tilespmem:s26+$0xFFFFFFB0]  }
0x6d: {  	[tilespmem:s26+$0xFFFFCD90] =	vst v1;
	v1 =	vmul.f32 $8.000000000e+00, v2;
	v2 =	vld [tilespmem:s26+$0xFFFFFFC0]  }
0x6e: {  	[tilespmem:s26+$0xFFFFCDA0] =	vst v0;
	v0 =	vmul.f32 $8.000000000e+00, v3;
	v3 =	vld [tilespmem:s26+$0xFFFFCDD0]  }
0x6f: {  	s25 =	sadd.s32 $0x4, s25;
	[tilespmem:s26+$0xFFFFCDB0] =	vst v1;
	v1 =	vmul.f32 $8.000000000e+00, v6;
	v6 =	vld [tilespmem:s26+$0xFFFFCDE0]  }
0x70: {  	p1 =	slt.u32 s25, $0xC4;
	[tilespmem:s26+$0xFFFFCDC0] =	vst v0;
	v0 =	vmul.f32 $8.000000000e+00, v5;
	v7 =	vld [tilespmem:s26+$0xFFFFCDF0]  }
.Ltmp2:
0x71: {  	[tilespmem:s26+$0xFFFFFF90] =	vst v1;
	v4 =	vmul.f32 $8.000000000e+00, v4;
	v1 =	vld [tilespmem:s26+$0xFFFFCE00];
	(pc) =	sbr.rel @p1 .LBB2_7-.Ltmp2, $4  }
0x72: {  	[tilespmem:s26+$0xFFFFFFA0] =	vst v0;
	v5 =	vmul.f32 $8.000000000e+00, v2;
	v0 =	vld [tilespmem:s26+$0xFFFFFFD0]  }
0x73: {  	[tilespmem:s26+$0xFFFFFFB0] =	vst v4;
	v4 =	vmul.f32 $8.000000000e+00, v3;
	v2 =	vld [tilespmem:s26+$0xFFFFFFE0]  }
0x74: {  	[tilespmem:s26+$0xFFFFFFC0] =	vst v5;
	v5 =	vmul.f32 $8.000000000e+00, v6;
	v3 =	vld [tilespmem:s26+$0x0]  }
0x75: {  	s26 =	sadd.s32 $0x100, s26;
	[tilespmem:s23+$0xFFFFCDD0] =	vst v4;
	v6 =	vmul.f32 $8.000000000e+00, v7;
	v4 =	vld [tilespmem:s23+$0xFFFFFFF0]  }
0x76: {  	[tilespmem:s23+$0xFFFFCDE0] =	vst v5;
	v1 =	vmul.f32 $8.000000000e+00, v1  }
0x77: {  	s22 =	sshll.u32 s22, $0x1;
	[tilespmem:s23+$0xFFFFCDF0] =	vst v6;
	v0 =	vmul.f32 $8.000000000e+00, v0  }
0x78: {  	s22 =	sadd.s32 s6, s22;
	[tilespmem:s23+$0xFFFFCE00] =	vst v1;
	v61 =	vmul.f32 $8.000000000e+00, v2  }
0x79: {  	p1 =	sne.s32 s21, $0x40;
	s22 =	smul.u32 $0xC80, s22;
	[tilespmem:s23+$0xFFFFFFD0] =	vst v0;
	v62 =	vmul.f32 $8.000000000e+00, v3  }
.Ltmp3:
0x7a: {  	[tilespmem:s23+$0xFFFFFFE0] =	vst v61;
	v63 =	vmul.f32 $8.000000000e+00, v4;
	(pc) =	sbr.rel @p1 .LBB2_2-.Ltmp3, $4  }
0x7b: {  	[tilespmem:s23+$0x0] =	vst v62  }
0x7c: {  	s22 =	sadd.s32 s4, s22;
	[tilespmem:s23+$0xFFFFFFF0] =	vst v63  }
0x7d: {  	[hbm4b:s22+s18] =	stream.strided.scatter [tilespmem:s24], [sflag:$0x2], $0x6400, s9, s18, $0x38;
	[tilespmem:$0x12C00] =	vst v63  }
0x7e: {  	p0 =	por !p0, !p0;
	s22 =	smov.u32 s21  }
0x7f: {  	s20 =	sadd.s32 $0x1, s20  }
0x80: {  	_ =	swait.ge [sflag:s19], $0x6400;
	p0 =	sne.s32 s20, s7  }
.Ltmp4:
0x81: {  	[sflag:s19] =	ssyncset.done $0x0;
	(pc) =	sbr.rel @p0 .LBB2_1-.Ltmp4, $4  }
0x82: {  	[sflag:s19] =	ssyncadd.s32 $0xFFFF9C00  }
0x83: {  	_ =	swait.ge [sflag:s19], $0x6400  }
0x84: {  	[sflag:s19] =	ssyncset.done $0x0  }
0x85: {  	[sflag:s19] =	ssyncadd.s32 $0xFFFF9C00  }
0x86: {  	_ =	sfence.sel $0x180000  }
0x87: {  	[bflag:$0x0] =	sbarrier.arrive $0xFFFF  }
0x88: {  	p0 =	sne.s32 s0, $0x0;
	_ =	strace $0x90000047  }
0x89: {  	s0 =	sadd.s32 @!p0 $0x100000, s1;
	[bflag:$0x2] =	sbarrier.arrive $0xFFFF  }
0x8a: {  	[sflag:s0] =	ssyncadd.tile.s32 @!p0 $0x1;
	_ =	shalt  }
.Lfunc_end2:
_tile_overlayer_lowered:
.L_overlay_start_2:
0x8b: {  	(tag) =	ssettag $0x2  }
0x8c: {  	s0 =	rddreg [dreg:$0x0];
	s2 =	stileid.u32  }
0x8d: {  	s1 =	rddreg [dreg:$0x1];
	p0 =	sne.s32 s2, $0x0  }
0x8e: {  	s3 =	rddreg [dreg:$0x2];
	[bflag:$0x3] =	sbarrier.arrive $0xFFFF;
	s2 =	simm.s32 @!p0 $0x1C03  }
0x8f: {  	[timem:s3], [sflag:s2] =	dma.local @!p0 [hbm:s0], s1  }
0x90: {  	s0 =	simm.s32 @!p0 $0x3  }
0x91: {  	_ =	swait.ge @!p0 [sflag:s0], s1  }
0x92: {  	s1 =	ssub.s32 @!p0 $0x0, s1;
	[sflag:s0] =	ssyncset.done @!p0 $0x0  }
0x93: {  	[sflag:s0] =	ssyncadd.s32 @!p0 s1  }
0x94: {  	[bflag:$0x3] =	sbarrier.arrive $0xFFFF  }
0x95: {  	_ =	shalt  }

// kernel: sparse-core-data-format-call.cloned.1.call-start
scs
called_computation_lowered:
.L_overlay_start_0:
0x0: {  	s2 =	sld [smem:$0x3FD9]  }
0x1: {  	s3 =	sld [smem:$0x3FFE];
	_ =	sdelay $0x1  }
0x2: {  	s1 =	srdreg.scid  }
0x3: {  	s0 =	sand.u32 $0x1, s1  }
0x4: {  	s18 =	sshll.u32 s0, $0xA;
	s2 =	sadd.s32 s3, s2  }
0x5: {  	s2 =	sadd.s32 s2, s18  }
0x6: {  	[smem:$0x3FC6] =	sst s2  }
0x7: {  	_ = 	snop  }
0x8: {  	s2 =	sld [smem:$0x3FD0];
	(tm) =	ssettm $0x1  }
0x9: {  	s19 =	sld [smem:$0x3FFB];
	_ =	sdelay $0x3  }
0xa: {  	_ =	strace s19  }
0xb: {  	s3 =	sld [smem:$0x3FFC];
	_ =	sdelay $0x3  }
0xc: {  	_ =	strace s3  }
0xd: {  	s3 =	sld [smem:$0x3FFD];
	_ =	sdelay $0x3  }
0xe: {  	_ =	strace s3  }
0xf: {  	_ =	strace $0x8FFFFFFF  }
0x10: {  	s20 =	sld [smem:$0x3FDB];
	_ =	sdelay $0x1  }
0x11: {  	s4 =	simm.s32 $_scs_section_size  }
0x12: {  	s5 =	simm.s32 $_size__tile_overlayer_lowered;
	s6 =	simm.s32 $_tile_overlayer_lowered  }
0x13: {  	s23 =	simm.s32 $0x1BFF;
	s22 =	sshll.u32 s6, $0x1;
	s3 =	sadd.s32 s4, s20  }
0x14: {  	s7 =	simm.s32 $0x0;
	s21 =	sshll.u32 s5, $0x1;
	s5 =	sadd.s32 s22, s3  }
0x15: {  	[timem:s7], [sflag:s23] =	dma.local [hbm:s5], s21  }
0x16: {  	_ =	swait.ge [sflag:s23], s21  }
0x17: {  	s4 =	ssub.s32 $0x0, s21;
	[sflag:s23] =	ssyncset.done $0x0  }
0x18: {  	[sflag:s23] =	ssyncadd.s32 s4;
	_ =	sdelay $0x1  }
0x19: {  	s24 =	simm.s32 $0x1B8B  }
0x1a: {  	_ =	swait.ge [sflag:s24], $0x1  }
0x1b: {  	[sflag:s24] =	ssyncset.done $0x0  }
0x1c: {  	s26 =	simm.s32 $0x1B8E;
	s25 =	sld [smem:$0x3FFE];
	[sflag:s24] =	ssyncadd.s32 $0xFFFFFFFF  }
0x1d: {  	s27 =	simm.s32 $execute0_lowered;
	[smem:$0x3FD2] =	sst s26  }
0x1e: {  	s5 =	sshll.u32 s27, $0x1;
	_ =	strace $0x80000049;
	[dreg:$0x1] =	wrdreg $0xFFFFFFFF  }
0x1f: {  	s28 =	simm.s32 $_size_execute0_lowered;
	s3 =	sadd.s32 s3, s5;
	[dreg:$0x0] =	wrdreg $0x0  }
0x20: {  	s5 =	sshll.u32 s28, $0x1;
	[dreg:$0x2] =	wrdreg s3  }
0x21: {  	[dreg:$0x3] =	wrdreg s5  }
0x22: {  	[dreg:$0x4] =	wrdreg $0xC0  }
0x23: {  	_ =	task [dreg:s7], $0x5FFFF  }
0x24: {  	[dreg:$0x1] =	wrdreg $0xFFFFFFFF  }
0x25: {  	[dreg:$0x0] =	wrdreg $0x60  }
0x26: {  	[dreg:$0x2] =	wrdreg s25  }
0x27: {  	[dreg:$0x3] =	wrdreg s2  }
0x28: {  	[dreg:$0x4] =	wrdreg $0x9  }
0x29: {  	_ =	task.clear_ibuf [dreg:s7], $0x5FFFF;
	_ =	strace $0x90000049  }
0x2a: {  	s29 =	simm.s32 $0x9;
	_ =	strace $0x8000004B  }
0x2b: {  	_ =	swait.ge [sflag:s29], $0x1  }
0x2c: {  	[sflag:s29] =	ssyncadd.s32 $0xFFFFFFFF  }
0x2d: {  	_ =	strace $0x9000004B  }
0x2e: {  	_ =	sfence  }
0x2f: {  	s30 =	sld [smem:$0x0];
	_ =	sdelay $0x2  }
0x30: {  	s31 =	sshll.u32 s1, $0xD;
	s1 =	sshrl.u32 s1, $0x2  }
0x31: {  	s3 =	sand.u32 $0x4000, s31;
	s1 =	sadd.s32 s1, s30  }
0x32: {  	s0 =	sor.u32 s3, s0;
	s1 =	sshll.u32 s1, $0x11  }
0x33: {  	s0 =	sor.u32 s1, s0  }
0x34: {  	s0 =	sadd.s32 $0x8F2B, s0  }
0x35: {  	[sflag:s0] =	ssyncadd.remote.s32 $0x1  }
0x36: {  	_ =	sfence.sel $0xFFFF  }
0x37: {  	[dreg:$0x0] =	wrdreg $0xFFFFFFFF;
	(pc) =	sbr.abs _section_cstart, $3  }
0x38: {  	[dreg:$0x1] =	wrdreg $0xFFFFFFFF  }
0x39: {  	_ =	task.clear_ibuf [dreg:s7], $0x2FFFF;
	_ =	strace $0x9FFFFFFF  }
0x3a: {  	(tm) =	ssettm $0x7FFFFFFF  }
0x3b: {  	_ =	shalt  }
tec
execute0_lowered:
.L_overlay_start_1:
0x0: {  	(tag) =	ssettag $0x1  }
0x1: {  	s0 =	srdreg.scid  }
0x2: {  	s1 =	sshll.u32 s0, $0x4  }
0x3: {  	s0 =	stileid.u32;
	s1 =	sand.u32 $0x10, s1  }
0x4: {  	s1 =	sor.u32 s0, s1  }
0x5: {  	s6 =	rddreg [dreg:$0x0];
	s4 =	simm.s32 $0x1;
	s2 =	sshll.u32 s1, $0x7  }
0x6: {  	s7 =	simm.s32 $0x2;
	s12 =	simm.s32 $0x0;
	s1 =	ssub.s32 $0x1000, s2  }
0x7: {  	s8 =	simm.s32 $0x8000;
	s13 =	simm.s32 $0x0;
	s3 =	sand.u32 $0xF80, s1  }
0x8: {  	s9 =	simm.s32 $0x0;
	s5 =	sshrl.u32 s1, $0xC;
	p0 =	sne.s32 s3, $0x0  }
.Ltmp0:
0x9: {  	s1 =	rddreg [dreg:$0x2];
	s4 =	simm.s32 @!p0 $0x0;
	(pc) =	sbr.rel .LBB1_1-.Ltmp0, $4  }
0xa: {  	s11 =	simm.s32 $0x0;
	s3 =	rddreg [dreg:$0x1];
	s5 =	sadd.s32 s4, s5  }
0xb: {  	_ =	strace $0x8000004A;
	s4 =	simm.s32 $0x1;
	s5 =	smul.u32 $0xC8, s5  }
0xc: {  	s6 =	sadd.s32 $0xA00, s6;
	s10 =	smov.u32 s2;
	[sflag:s4] =	ssyncpa.u1 $0x0  }
0xd: {  	p0 =	por $0x0, $0x0;
	[sflag:s7] =	ssyncpa.u1 $0x0;
	s7 =	sor.u32 $0x1, s5  }
.LBB1_4:
0xe: {  	s16 =	sshll.u32 s13, $0x3;
	s17 =	sand.u32 $0x78, s13  }
0xf: {  	s30 =	sand.u32 $0x7E00, s13;
	s12 =	sshll.u32 s12, $0xF;
	s16 =	sand.u32 $0xC00, s16  }
0x10: {  	[tilespmem:s15+$0x810 ss:$0x81] =	vst.msk $0xffff, v2;
	s31 =	sand.u32 $0x7, s13;
	s16 =	sor.u32 s17, s16;
	s17 =	sadd.s32 s3, s30  }
0x11: {  	[tilespmem:s15+$0x1020 ss:$0x81] =	vst.msk $0xffff, v0;
	s13 =	sshll.u32 s31, $0x12;
	s12 =	sadd.s32 s12, s17;
	s16 =	sshrl.u32 s16, $0x3  }
0x12: {  	[tilespmem:s15+$0x0 ss:$0x81] =	vst.msk $0xffff, v1;
	s13 =	sor.u32 $0x400, s13;
	s12 =	sadd.s32 s16, s12  }
0x13: {  	[hbm4b:s12+s13] =	stream.strided.scatter [tilespmem:s14], [sflag:$0x2], $0x2000, s8, s13, $0x20;
	[tilespmem:$0x8080] =	vst v63  }
.LBB1_5:
0x14: {  	s14 =	sadd.s32 $0x1, s9  }
0x15: {  	s12 =	sadd.s32 $0x1000, s10;
	s16 =	smov.u32 s10;
	p2 =	sgt.s32 s14, $0xC7  }
0x16: {  	s16 =	smov.u32 @p2 s12  }
0x17: {  	s14 =	simm.s32 @p2 $0x0;
	p2 =	sgt.s32 s16, $0xFFF  }
0x18: {  	s16 =	smov.u32 @p2 s2;
	p2 =	sne.s32 s11, s7  }
.Ltmp1:
0x19: {  	p1 =	slt.u32 s11, $0x2;
	(pc) =	sbr.rel @!p2 .LBB1_6-.Ltmp1, $4  }
0x1a: {  	s15 =	simm.s32 @!p1 $0x2  }
0x1b: {  	s13 =	smov.u32 s10;
	p0 =	por !p0, !p0;
	_ =	swait.ge @!p1 [sflag:s15], $0x2000  }
0x1c: {  	s12 =	smov.u32 s9;
	[sflag:s15] =	ssyncset.done @!p1 $0x0;
	s9 =	smov.u32 s14  }
0x1d: {  	s11 =	sadd.s32 $0x1, s11;
	[sflag:s15] =	ssyncadd.s32 @!p1 $0xFFFFE000;
	s10 =	smov.u32 s16  }
.LBB1_1:
0x1e: {  	p1 =	sge.u32 s11, s5  }
0x1f: {  	s14 =	sand.u32 @!p1 $0x1FFFFFF, s9  }
0x20: {  	s15 =	smulhi.u32 @!p1 $0x147AE15, s14;
	_ =	sdelay $0x1  }
0x21: {  	s15 =	smul.u32 @!p1 $0xC8, s15  }
0x22: {  	s16 =	sxor.u32 @!p1 $0xFFFFFFFF, s11;
	s17 =	smul.u32 @!p1 $0xC80, s10  }
0x23: {  	s31 =	sadd.s32 $0xFFFFFFFF, s11;
	s16 =	sshll.u32 @!p1 s16, $0xD;
	s14 =	ssub.s32 @!p1 s14, s15  }
0x24: {  	s15 =	sand.u32 @!p1 $0x2000, s16;
	s16 =	sadd.s32 @!p1 s6, s17;
	s14 =	sshll.u32 @!p1 s14, $0x4  }
0x25: {  	s17 =	simm.s32 @!p1 $0x6400;
	s14 =	sadd.s32 @!p1 s14, s16;
	s16 =	simm.s32 @!p1 $0x40  }
0x26: {  	[tilespmem:s15], [sflag:$0x1] =	stream.strided.gather @!p1 [hbm4b:s14+s16], $0x2000, s17, s16, $0x38;
	[tilespmem:$0x8080] =	vst v63  }
0x27: {  	p1 =	sge.u32 s31, s5  }
.Ltmp2:
0x28: {  	_ = 	snop;
	(pc) =	sbr.rel @p1 .LBB1_5-.Ltmp2, $1  }
0x29: {  	_ =	sdelay $0x3  }
0x2a: {  	s14 =	simm.s32 $0x1  }
0x2b: {  	_ =	swait.ge [sflag:s4], $0x2000;
	s14 =	simm.s32 @!p0 $0x0  }
0x2c: {  	[sflag:s4] =	ssyncset.done $0x0;
	s15 =	sshll.u32 s14, $0xD  }
0x2d: {  	[sflag:s4] =	ssyncadd.s32 $0xFFFFE000;
	s18 =	sor.u32 $0x20, s15  }
0x2e: {  	s14 =	smul.u32 $0x8100, s14;
	v3 =	vld [tilespmem:s18+$0x10]  }
0x2f: {  	s30 =	sand.u32 $0x1, s11;
	v2 =	vld [tilespmem:s18+$0xFFFFFFF0]  }
0x30: {  	s15 =	smul.u32 $0x8100, s30;
	s14 =	sshrl.u32 s14, $0x2;
	v0 =	vld [tilespmem:s18+$0x0]  }
0x31: {  	v1 =	vld [tilespmem:s18+$0xFFFFFFE0];
	s16 =	sor.u32 $0x4000, s14  }
0x32: {  	s31 =	sshrl.u32 s15, $0x2;
	s15 =	sadd.s32 $0x0, s16  }
0x33: {  	s17 =	simm.s32 $0x4;
	s18 =	sadd.s32 $0x40, s18;
	s14 =	sor.u32 $0x4000, s31;
	[tilespmem:s15+$0x1830 ss:$0x81] =	vst.msk $0xffff, v3  }
.LBB1_3:
0x34: {  	v3 =	vld [tilespmem:s18+$0x10];
	p1 =	sne.s32 s17, $0x1FC;
	[tilespmem:s15+$0x810 ss:$0x81] =	vst.msk $0xffff, v2;
	s19 =	smov.u32 s17;
	s17 =	sadd.s32 $0x4, s17  }
.Ltmp3:
0x35: {  	v2 =	vld [tilespmem:s18+$0xFFFFFFF0];
	[tilespmem:s15+$0x1020 ss:$0x81] =	vst.msk $0xffff, v0;
	(pc) =	sbr.rel @p1 .LBB1_3-.Ltmp3, $4  }
0x36: {  	v0 =	vld [tilespmem:s18+$0x0];
	[tilespmem:s15+$0x0 ss:$0x81] =	vst.msk $0xffff, v1  }
0x37: {  	s15 =	sshra.s32 s19, $0x2;
	v1 =	vld [tilespmem:s18+$0xFFFFFFE0]  }
0x38: {  	s15 =	sadd.s32 s15, s16  }
0x39: {  	s18 =	sadd.s32 $0x40, s18;
	[tilespmem:s15+$0x1830 ss:$0x81] =	vst.msk $0xffff, v3  }
.Ltmp4:
0x3a: {  	_ = 	snop;
	(pc) =	sbr.rel .LBB1_4-.Ltmp4, $1  }
0x3b: {  	_ =	sdelay $0x3  }
.LBB1_6:
0x3c: {  	_ =	sfence.sel $0x180000  }
0x3d: {  	s2 =	simm.s32 $0x1;
	[bflag:$0x0] =	sbarrier.arrive $0xFFFF  }
0x3e: {  	s31 =	simm.s32 $0x2;
	[sflag:s2] =	ssyncpa.u1 $0x1  }
0x3f: {  	[sflag:s31] =	ssyncpa.u1 $0x1  }
0x40: {  	p0 =	sne.s32 s0, $0x0;
	_ =	strace $0x9000004A  }
0x41: {  	s0 =	sadd.s32 @!p0 $0x100000, s1;
	[bflag:$0x2] =	sbarrier.arrive $0xFFFF  }
0x42: {  	[sflag:s0] =	ssyncadd.tile.s32 @!p0 $0x1;
	_ =	shalt  }
.Lfunc_end1:
_tile_overlayer_lowered:
.L_overlay_start_2:
0x43: {  	(tag) =	ssettag $0x2  }
0x44: {  	s0 =	rddreg [dreg:$0x0];
	s2 =	stileid.u32  }
0x45: {  	s1 =	rddreg [dreg:$0x1];
	p0 =	sne.s32 s2, $0x0  }
0x46: {  	s3 =	rddreg [dreg:$0x2];
	[bflag:$0x3] =	sbarrier.arrive $0xFFFF;
	s2 =	simm.s32 @!p0 $0x1C01  }
0x47: {  	[timem:s3], [sflag:s2] =	dma.local @!p0 [hbm:s0], s1  }
0x48: {  	s0 =	simm.s32 @!p0 $0x1  }
0x49: {  	_ =	swait.ge @!p0 [sflag:s0], s1  }
0x4a: {  	s1 =	ssub.s32 @!p0 $0x0, s1;
	[sflag:s0] =	ssyncset.done @!p0 $0x0  }
0x4b: {  	[sflag:s0] =	ssyncadd.s32 @!p0 s1  }
0x4c: {  	[bflag:$0x3] =	sbarrier.arrive $0xFFFF  }
0x4d: {  	_ =	shalt  }

</sc_bundles>
